<compile_context>
chip_gen: v7x
topology: tpu7x:2x2x1
jax: 0.10.2.dev20260603
libtpu: 0.0.44.dev20260713+nightly
codegen_flags: <defaults>
</compile_context>

<pallas_src>
import functools

import jax
import jax.numpy as jnp
from jax import lax
from jax.experimental import pallas as pl
from jax.experimental.pallas import tpu as pltpu
from jax.experimental.pallas import tpu_sc as plsc

_B, _C, _N, _K = 4, 3, 4096, 32
_R = 128

_NEG = -3.0e38

_NW = 32


def _leaky(v):
    return jnp.maximum(v, 0.2 * v)


def _topk_body(xf_ref, xr_ref, idx_ref):
    xf = xf_ref[0]
    xr = xr_ref[0]

    xxf = jnp.sum(xf * xf, axis=0)
    xxr = jnp.sum(xr * xr, axis=0)
    g = lax.dot_general(
        xr, xf, (((0,), (0,)), ((), ())),
        preferred_element_type=jnp.float32)
    d = 2.0 * g - xxr[:, None] - xxf[None, :]

    ii = lax.broadcasted_iota(jnp.int32, d.shape, 1)
    r0 = pl.program_id(1)
    gi = r0 * d.shape[0] + lax.broadcasted_iota(jnp.int32, (d.shape[0], 1), 0)
    d = jnp.where(ii == gi, _NEG, d)

    boff = pl.program_id(0) * xf.shape[1]
    subs = 1
    rs = d.shape[0] // subs
    ii2 = ii[:rs]
    dsubs = [d[s * rs:(s + 1) * rs] for s in range(subs)]
    colss = [[gi[s * rs:(s + 1) * rs]] for s in range(subs)]
    for _ in range(_K - 1):
        for s in range(subs):
            am = jnp.argmax(dsubs[s], axis=1)[:, None]
            colss[s].append(am)
            dsubs[s] = jnp.where(ii2 == am, _NEG, dsubs[s])
    parts = [jnp.concatenate(cols, axis=1) for cols in colss]
    idx_ref[0] = jnp.concatenate(parts, axis=0) + boff


def _sc_gather(t0, t1, t2, idxf):
    total = idxf.shape[0]
    bn = t0.shape[0]
    per_w = total // _NW
    chunk = 2048
    mesh = plsc.VectorSubcoreMesh(core_axis_name="c", subcore_axis_name="s")

    @functools.partial(
        pl.kernel, mesh=mesh,
        compiler_params=pltpu.CompilerParams(needs_layout_passes=False),
        out_type=jax.ShapeDtypeStruct((3, 1, total), jnp.float32),
        scratch_types=[
            pltpu.VMEM((bn,), jnp.float32),
            pltpu.VMEM((bn,), jnp.float32),
            pltpu.VMEM((bn,), jnp.float32),
            pltpu.VMEM((per_w,), jnp.int32),
            pltpu.VMEM((chunk,), jnp.float32),
            pltpu.VMEM((chunk,), jnp.float32),
            pltpu.VMEM((chunk,), jnp.float32),
        ],
    )
    def k(t0_hbm, t1_hbm, t2_hbm, idx_hbm, out_hbm,
          v0, v1, v2, idx_v, o0, o1, o2):
        wid = lax.axis_index("s") * 2 + lax.axis_index("c")
        base = wid * per_w
        pltpu.sync_copy(t0_hbm, v0)
        pltpu.sync_copy(t1_hbm, v1)
        pltpu.sync_copy(t2_hbm, v2)
        pltpu.sync_copy(idx_hbm.at[pl.ds(base, per_w)], idx_v)

        def outer(cix, _):
            def inner(v, _):
                idx16 = idx_v[pl.ds(cix * chunk + v * 16, 16)]
                o0[pl.ds(v * 16, 16)] = plsc.load_gather(v0, [idx16])
                o1[pl.ds(v * 16, 16)] = plsc.load_gather(v1, [idx16])
                o2[pl.ds(v * 16, 16)] = plsc.load_gather(v2, [idx16])
                return ()

            lax.fori_loop(0, chunk // 16, inner, (), unroll=False)
            off = base + cix * chunk
            pltpu.sync_copy(o0, out_hbm.at[0, 0, pl.ds(off, chunk)])
            pltpu.sync_copy(o1, out_hbm.at[1, 0, pl.ds(off, chunk)])
            pltpu.sync_copy(o2, out_hbm.at[2, 0, pl.ds(off, chunk)])
            return ()

        lax.fori_loop(0, per_w // chunk, outer, (), unroll=False)

    return k(t0, t1, t2, idxf)


def _conv_body(nb_ref, xr_ref, w1a_ref, wb_ref, w2_ref, o_ref):
    xr = xr_ref[0]
    nb2 = nb_ref[:, 0, 0, 0, :]
    r = xr.shape[1]

    base = lax.dot_general(
        xr, wb_ref[...], (((0,), (0,)), ((), ())),
        preferred_element_type=jnp.float32)
    base2 = jnp.broadcast_to(base[:, None, :], (r, _K, 64)).reshape(r * _K, 64)
    h1 = _leaky(lax.dot_general(
        nb2, w1a_ref[...], (((0,), (0,)), ((), ())),
        preferred_element_type=jnp.float32) + base2)
    h2 = _leaky(lax.dot_general(
        h1, w2_ref[...], (((1,), (0,)), ((), ())),
        preferred_element_type=jnp.float32))
    o_ref[0] = jnp.max(h2.reshape(r, _K, 64), axis=1)


@jax.jit
def kernel(x, W1, W2):
    b, c, n = x.shape
    xp = jnp.pad(x, ((0, 0), (0, 8 - c), (0, 0)))

    idx = pl.pallas_call(
        _topk_body,
        grid=(b, n // _R),
        in_specs=[
            pl.BlockSpec((1, 8, n), lambda i, j: (i, 0, 0)),
            pl.BlockSpec((1, 8, _R), lambda i, j: (i, 0, j)),
        ],
        out_specs=pl.BlockSpec((1, _R, _K), lambda i, j: (i, j, 0)),
        out_shape=jax.ShapeDtypeStruct((b, n, _K), jnp.int32),
    )(xp, xp)

    planes = [x[:, k, :].reshape(b * n) for k in range(c)]
    gathered = _sc_gather(*planes, idx.reshape(b * n * _K))
    nbr = gathered.reshape(3, b, n // _R, 1, _R * _K)

    w1a = W1[:, :c].T
    wb = jnp.pad((W1[:, c:] - W1[:, :c]).T, ((0, 8 - c), (0, 0)))
    w2t = W2.T

    out = pl.pallas_call(
        _conv_body,
        grid=(b, n // _R),
        in_specs=[
            pl.BlockSpec((3, 1, 1, 1, _R * _K), lambda i, j: (0, i, j, 0, 0)),
            pl.BlockSpec((1, 8, _R), lambda i, j: (i, 0, j)),
            pl.BlockSpec((3, 64), lambda i, j: (0, 0)),
            pl.BlockSpec((8, 64), lambda i, j: (0, 0)),
            pl.BlockSpec((64, 64), lambda i, j: (0, 0)),
        ],
        out_specs=pl.BlockSpec((1, _R, 64), lambda i, j: (i, j, 0)),
        out_shape=jax.ShapeDtypeStruct((b, n, 64), jnp.float32),
    )(nbr, xp, w1a, wb, w2t)
    return jnp.swapaxes(out, 1, 2)

# --- scband reference (transcript-rebuilt; emitter-appended) ---
"""Pipeline reference for scband-pct-patch-semseg-77455440216469 (READ-ONLY COPY).

The authoritative reference and input builder live on the scoring server;
editing this copy changes nothing except your own understanding.
"""

import jax, jax.numpy as jnp
import numpy as np

B, C, N, K = 4, 3, 4096, 32


def setup_inputs(seed: int = 0) -> dict:
    key = jax.random.key(seed)
    k1, k2, k3 = jax.random.split(key, 3)
    x = jax.random.normal(k1, (B, C, N), dtype=jnp.float32)
    W1 = jax.random.normal(k2, (64, 2 * C), dtype=jnp.float32) * 0.1
    W2 = jax.random.normal(k3, (64, 64), dtype=jnp.float32) * 0.1
    return {"x": x, "W1": W1, "W2": W2}


def _knn(x, k):
    # x: [B, C, N] -> idx: [B, N, K]
    inner = -2.0 * jnp.matmul(jnp.swapaxes(x, 2, 1), x)
    xx = jnp.sum(x ** 2, axis=1, keepdims=True)
    pairwise = -xx - inner - jnp.swapaxes(xx, 2, 1)
    _, idx = jax.lax.top_k(pairwise, k)
    return idx


def _get_neighbors(x, k):
    # x: [B, C, N] -> feature: [B, 2C, N, K]  (DGCNN edge features, as in get_neighbors)
    b, c, n = x.shape
    idx = _knn(x, k)                              # [B, N, K]
    xt = jnp.swapaxes(x, 2, 1)                    # [B, N, C]
    neighbors = jax.vmap(lambda pts, i: pts[i])(xt, idx)  # gather: [B, N, K, C]
    xe = jnp.broadcast_to(xt[:, :, None, :], (b, n, k, c))
    feature = jnp.concatenate((neighbors - xe, xe), axis=3)  # [B, N, K, 2C]
    return jnp.transpose(feature, (0, 3, 1, 2))   # [B, 2C, N, K]


def _leaky(v):
    return jnp.where(v >= 0, v, 0.2 * v)


def reference(x, W1, W2):
    # knn neighbor retrieval + edge-feature construction + 1x1 conv stack + max-pool over K,
    # matching PCT_patch_semseg's get_neighbors -> conv1 -> conv2 -> max(dim=-1) front-end.
    feat = _get_neighbors(x, K)                       # [B, 6, N, K]
    h = jnp.einsum('oc,bcnk->bonk', W1, feat)          # conv1 (1x1)
    h = _leaky(h)
    h = jnp.einsum('oc,bcnk->bonk', W2, h)             # conv2 (1x1)
    h = _leaky(h)
    out = jnp.max(h, axis=-1)                          # [B, 64, N]
    return out

if __name__ == "__main__":
    import jax
    _d = setup_inputs()
    print(jax.jit(kernel)(*tuple(_d.values())))

</pallas_src>

<mosaic_0001>
#map = affine_map<(d0, d1) -> (0)>
#map1 = affine_map<(d0, d1) -> (0, 0, 0)>
module attributes {stable_mosaic.version = 14 : i64} {
  func.func @k(%arg0: i32, %arg1: i32, %arg2: memref<16384xf32, #tpu.memory_space<hbm>>, %arg3: memref<16384xf32, #tpu.memory_space<hbm>>, %arg4: memref<16384xf32, #tpu.memory_space<hbm>>, %arg5: memref<524288xi32, #tpu.memory_space<hbm>>, %arg6: memref<3x1x524288xf32, #tpu.memory_space<hbm>>, %arg7: memref<16384xf32, #tpu.memory_space<vmem>>, %arg8: memref<16384xf32, #tpu.memory_space<vmem>>, %arg9: memref<16384xf32, #tpu.memory_space<vmem>>, %arg10: memref<16384xi32, #tpu.memory_space<vmem>>, %arg11: memref<2048xf32, #tpu.memory_space<vmem>>, %arg12: memref<2048xf32, #tpu.memory_space<vmem>>, %arg13: memref<2048xf32, #tpu.memory_space<vmem>>) attributes {dimension_semantics = [#tpu.dimension_semantics<core_parallel>, #tpu.dimension_semantics<subcore_parallel>], iteration_bounds = array<i64: 2, 16>, scalar_prefetch = 0 : i64, scratch_operands = 7 : i64, tpu.core_type = #tpu.core_type<sc_vector_subcore>, window_params = [{transform_indices = #map}, {transform_indices = #map}, {transform_indices = #map}, {transform_indices = #map}, {transform_indices = #map1}]} {
    %mul3A = arith.constant 2 : i32
    %mul3A_0 = arith.muli %arg1, %mul3A : i32
    %add3A = arith.addi %mul3A_0, %arg0 : i32
    %mul3A_1 = arith.constant 16384 : i32
    %mul3A_2 = arith.muli %add3A, %mul3A_1 : i32
    "tpu.region"() ({
      %run_scoped3A = tpu.sem_alloc : memref<!tpu.dma_semaphore, #tpu.memory_space<semaphore_mem>>
      tpu.enqueue_dma source(%arg2 : memref<16384xf32, #tpu.memory_space<hbm>>) target(%arg7 : memref<16384xf32, #tpu.memory_space<vmem>>) target_semaphore(%run_scoped3A : memref<!tpu.dma_semaphore, #tpu.memory_space<semaphore_mem>>)
      tpu.wait_dma2 semaphore(%run_scoped3A : memref<!tpu.dma_semaphore, #tpu.memory_space<semaphore_mem>>) src(%arg2 : memref<16384xf32, #tpu.memory_space<hbm>>) dst(%arg7 : memref<16384xf32, #tpu.memory_space<vmem>>)
      tpu.yield
    }) : () -> ()
    "tpu.region"() ({
      %run_scoped3A = tpu.sem_alloc : memref<!tpu.dma_semaphore, #tpu.memory_space<semaphore_mem>>
      tpu.enqueue_dma source(%arg3 : memref<16384xf32, #tpu.memory_space<hbm>>) target(%arg8 : memref<16384xf32, #tpu.memory_space<vmem>>) target_semaphore(%run_scoped3A : memref<!tpu.dma_semaphore, #tpu.memory_space<semaphore_mem>>)
      tpu.wait_dma2 semaphore(%run_scoped3A : memref<!tpu.dma_semaphore, #tpu.memory_space<semaphore_mem>>) src(%arg3 : memref<16384xf32, #tpu.memory_space<hbm>>) dst(%arg8 : memref<16384xf32, #tpu.memory_space<vmem>>)
      tpu.yield
    }) : () -> ()
    "tpu.region"() ({
      %run_scoped3A = tpu.sem_alloc : memref<!tpu.dma_semaphore, #tpu.memory_space<semaphore_mem>>
      tpu.enqueue_dma source(%arg4 : memref<16384xf32, #tpu.memory_space<hbm>>) target(%arg9 : memref<16384xf32, #tpu.memory_space<vmem>>) target_semaphore(%run_scoped3A : memref<!tpu.dma_semaphore, #tpu.memory_space<semaphore_mem>>)
      tpu.wait_dma2 semaphore(%run_scoped3A : memref<!tpu.dma_semaphore, #tpu.memory_space<semaphore_mem>>) src(%arg4 : memref<16384xf32, #tpu.memory_space<hbm>>) dst(%arg9 : memref<16384xf32, #tpu.memory_space<vmem>>)
      tpu.yield
    }) : () -> ()
    "tpu.region"() ({
      %run_scoped3A = tpu.sem_alloc : memref<!tpu.dma_semaphore, #tpu.memory_space<semaphore_mem>>
      %dma_start3A = tpu.memref_slice %arg5[%mul3A_2] : memref<524288xi32, #tpu.memory_space<hbm>> -> memref<16384xi32, #tpu.memory_space<hbm>>
      %dma_start3A_7 = tpu.memref_slice %arg5[%mul3A_2] : memref<524288xi32, #tpu.memory_space<hbm>> -> memref<16384xi32, #tpu.memory_space<hbm>>
      tpu.enqueue_dma source(%dma_start3A_7 : memref<16384xi32, #tpu.memory_space<hbm>>) target(%arg10 : memref<16384xi32, #tpu.memory_space<vmem>>) target_semaphore(%run_scoped3A : memref<!tpu.dma_semaphore, #tpu.memory_space<semaphore_mem>>)
      %dma_wait3A = tpu.memref_slice %arg5[%mul3A_2] : memref<524288xi32, #tpu.memory_space<hbm>> -> memref<16384xi32, #tpu.memory_space<hbm>>
      %dma_wait3A_8 = tpu.memref_slice %arg5[%mul3A_2] : memref<524288xi32, #tpu.memory_space<hbm>> -> memref<16384xi32, #tpu.memory_space<hbm>>
      tpu.wait_dma2 semaphore(%run_scoped3A : memref<!tpu.dma_semaphore, #tpu.memory_space<semaphore_mem>>) src(%dma_wait3A_8 : memref<16384xi32, #tpu.memory_space<hbm>>) dst(%arg10 : memref<16384xi32, #tpu.memory_space<vmem>>)
      tpu.yield
    }) : () -> ()
    %scan3A = arith.constant 0 : i32
    %scan3A_3 = arith.constant 8 : i32
    %scan3A_4 = arith.addi %scan3A, %scan3A_3 : i32
    %scan3A_5 = arith.constant 1 : i32
    scf.for %scan3A_7 = %scan3A to %scan3A_4 step %scan3A_5  : i32 {
      %scan3A_8 = arith.constant 0 : i32
      %scan3A_9 = arith.constant 128 : i32
      %scan3A_10 = arith.addi %scan3A_8, %scan3A_9 : i32
      %scan3A_11 = arith.constant 1 : i32
      scf.for %scan3A_21 = %scan3A_8 to %scan3A_10 step %scan3A_11  : i32 {
        %mul3A_22 = arith.constant 2048 : i32
        %mul3A_23 = arith.muli %scan3A_7, %mul3A_22 : i32
        %mul3A_24 = arith.constant 16 : i32
        %mul3A_25 = arith.muli %scan3A_21, %mul3A_24 : i32
        %add3A_26 = arith.addi %mul3A_23, %mul3A_25 : i32
        %get3A = arith.index_cast %add3A_26 : i32 to index
        %get3A_27 = tpu.vector_load %arg10[%get3A] {strides = array<i32>} : memref<16384xi32, #tpu.memory_space<vmem>>, vector<16xi32>,
        %gather3A = tpu.vector_load_idx %arg7[%get3A_27] : memref<16384xf32, #tpu.memory_space<vmem>>[vector<16xi32>], vector<16xf32>,
        %mul3A_28 = arith.constant 16 : i32
        %mul3A_29 = arith.muli %scan3A_21, %mul3A_28 : i32
        %swap3A = arith.index_cast %mul3A_29 : i32 to index
        %swap3A_30 = tpu.vector_load %arg11[%swap3A] {strides = array<i32>} : memref<2048xf32, #tpu.memory_space<vmem>>, vector<16xf32>,
        tpu.vector_store %arg11[%swap3A], %gather3A {strides = array<i32>} : memref<2048xf32, #tpu.memory_space<vmem>>, vector<16xf32>,
        %gather3A_31 = tpu.vector_load_idx %arg8[%get3A_27] : memref<16384xf32, #tpu.memory_space<vmem>>[vector<16xi32>], vector<16xf32>,
        %mul3A_32 = arith.constant 16 : i32
        %mul3A_33 = arith.muli %scan3A_21, %mul3A_32 : i32
        %swap3A_34 = arith.index_cast %mul3A_33 : i32 to index
        %swap3A_35 = tpu.vector_load %arg12[%swap3A_34] {strides = array<i32>} : memref<2048xf32, #tpu.memory_space<vmem>>, vector<16xf32>,
        tpu.vector_store %arg12[%swap3A_34], %gather3A_31 {strides = array<i32>} : memref<2048xf32, #tpu.memory_space<vmem>>, vector<16xf32>,
        %gather3A_36 = tpu.vector_load_idx %arg9[%get3A_27] : memref<16384xf32, #tpu.memory_space<vmem>>[vector<16xi32>], vector<16xf32>,
        %mul3A_37 = arith.constant 16 : i32
        %mul3A_38 = arith.muli %scan3A_21, %mul3A_37 : i32
        %swap3A_39 = arith.index_cast %mul3A_38 : i32 to index
        %swap3A_40 = tpu.vector_load %arg13[%swap3A_39] {strides = array<i32>} : memref<2048xf32, #tpu.memory_space<vmem>>, vector<16xf32>,
        tpu.vector_store %arg13[%swap3A_39], %gather3A_36 {strides = array<i32>} : memref<2048xf32, #tpu.memory_space<vmem>>, vector<16xf32>,
      }
      %scan3A_12 = arith.constant 128 : i32
      %mul3A_13 = arith.constant 2048 : i32
      %mul3A_14 = arith.muli %scan3A_7, %mul3A_13 : i32
      %add3A_15 = arith.addi %mul3A_2, %mul3A_14 : i32
      %run_scoped3A = arith.constant 0 : i32
      %run_scoped3A_16 = arith.constant 0 : i32
      "tpu.region"() ({
        %run_scoped3A_21 = tpu.sem_alloc : memref<!tpu.dma_semaphore, #tpu.memory_space<semaphore_mem>>
        %dma_start3A = tpu.memref_slice %arg6[%run_scoped3A, %run_scoped3A_16, %add3A_15] : memref<3x1x524288xf32, #tpu.memory_space<hbm>> -> memref<1x1x2048xf32, #tpu.memory_space<hbm>>
        %dma_start3A_22 = tpu.memref_squeeze %dma_start3A : memref<1x1x2048xf32, #tpu.memory_space<hbm>> -> memref<2048xf32, #tpu.memory_space<hbm>>
        %dma_start3A_23 = tpu.memref_slice %arg6[%run_scoped3A, %run_scoped3A_16, %add3A_15] : memref<3x1x524288xf32, #tpu.memory_space<hbm>> -> memref<1x1x2048xf32, #tpu.memory_space<hbm>>
        %dma_start3A_24 = tpu.memref_squeeze %dma_start3A_23 : memref<1x1x2048xf32, #tpu.memory_space<hbm>> -> memref<2048xf32, #tpu.memory_space<hbm>>
        tpu.enqueue_dma source(%arg11 : memref<2048xf32, #tpu.memory_space<vmem>>) target(%dma_start3A_24 : memref<2048xf32, #tpu.memory_space<hbm>>) target_semaphore(%run_scoped3A_21 : memref<!tpu.dma_semaphore, #tpu.memory_space<semaphore_mem>>)
        %dma_wait3A = tpu.memref_slice %arg6[%run_scoped3A, %run_scoped3A_16, %add3A_15] : memref<3x1x524288xf32, #tpu.memory_space<hbm>> -> memref<1x1x2048xf32, #tpu.memory_space<hbm>>
        %dma_wait3A_25 = tpu.memref_squeeze %dma_wait3A : memref<1x1x2048xf32, #tpu.memory_space<hbm>> -> memref<2048xf32, #tpu.memory_space<hbm>>
        %dma_wait3A_26 = tpu.memref_slice %arg6[%run_scoped3A, %run_scoped3A_16, %add3A_15] : memref<3x1x524288xf32, #tpu.memory_space<hbm>> -> memref<1x1x2048xf32, #tpu.memory_space<hbm>>
        %dma_wait3A_27 = tpu.memref_squeeze %dma_wait3A_26 : memref<1x1x2048xf32, #tpu.memory_space<hbm>> -> memref<2048xf32, #tpu.memory_space<hbm>>
        tpu.wait_dma2 semaphore(%run_scoped3A_21 : memref<!tpu.dma_semaphore, #tpu.memory_space<semaphore_mem>>) src(%arg11 : memref<2048xf32, #tpu.memory_space<vmem>>) dst(%dma_wait3A_27 : memref<2048xf32, #tpu.memory_space<hbm>>)
        tpu.yield
      }) : () -> ()
      %run_scoped3A_17 = arith.constant 1 : i32
      %run_scoped3A_18 = arith.constant 0 : i32
      "tpu.region"() ({
        %run_scoped3A_21 = tpu.sem_alloc : memref<!tpu.dma_semaphore, #tpu.memory_space<semaphore_mem>>
        %dma_start3A = tpu.memref_slice %arg6[%run_scoped3A_17, %run_scoped3A_18, %add3A_15] : memref<3x1x524288xf32, #tpu.memory_space<hbm>> -> memref<1x1x2048xf32, #tpu.memory_space<hbm>>
        %dma_start3A_22 = tpu.memref_squeeze %dma_start3A : memref<1x1x2048xf32, #tpu.memory_space<hbm>> -> memref<2048xf32, #tpu.memory_space<hbm>>
        %dma_start3A_23 = tpu.memref_slice %arg6[%run_scoped3A_17, %run_scoped3A_18, %add3A_15] : memref<3x1x524288xf32, #tpu.memory_space<hbm>> -> memref<1x1x2048xf32, #tpu.memory_space<hbm>>
        %dma_start3A_24 = tpu.memref_squeeze %dma_start3A_23 : memref<1x1x2048xf32, #tpu.memory_space<hbm>> -> memref<2048xf32, #tpu.memory_space<hbm>>
        tpu.enqueue_dma source(%arg12 : memref<2048xf32, #tpu.memory_space<vmem>>) target(%dma_start3A_24 : memref<2048xf32, #tpu.memory_space<hbm>>) target_semaphore(%run_scoped3A_21 : memref<!tpu.dma_semaphore, #tpu.memory_space<semaphore_mem>>)
        %dma_wait3A = tpu.memref_slice %arg6[%run_scoped3A_17, %run_scoped3A_18, %add3A_15] : memref<3x1x524288xf32, #tpu.memory_space<hbm>> -> memref<1x1x2048xf32, #tpu.memory_space<hbm>>
        %dma_wait3A_25 = tpu.memref_squeeze %dma_wait3A : memref<1x1x2048xf32, #tpu.memory_space<hbm>> -> memref<2048xf32, #tpu.memory_space<hbm>>
        %dma_wait3A_26 = tpu.memref_slice %arg6[%run_scoped3A_17, %run_scoped3A_18, %add3A_15] : memref<3x1x524288xf32, #tpu.memory_space<hbm>> -> memref<1x1x2048xf32, #tpu.memory_space<hbm>>
        %dma_wait3A_27 = tpu.memref_squeeze %dma_wait3A_26 : memref<1x1x2048xf32, #tpu.memory_space<hbm>> -> memref<2048xf32, #tpu.memory_space<hbm>>
        tpu.wait_dma2 semaphore(%run_scoped3A_21 : memref<!tpu.dma_semaphore, #tpu.memory_space<semaphore_mem>>) src(%arg12 : memref<2048xf32, #tpu.memory_space<vmem>>) dst(%dma_wait3A_27 : memref<2048xf32, #tpu.memory_space<hbm>>)
        tpu.yield
      }) : () -> ()
      %run_scoped3A_19 = arith.constant 2 : i32
      %run_scoped3A_20 = arith.constant 0 : i32
      "tpu.region"() ({
        %run_scoped3A_21 = tpu.sem_alloc : memref<!tpu.dma_semaphore, #tpu.memory_space<semaphore_mem>>
        %dma_start3A = tpu.memref_slice %arg6[%run_scoped3A_19, %run_scoped3A_20, %add3A_15] : memref<3x1x524288xf32, #tpu.memory_space<hbm>> -> memref<1x1x2048xf32, #tpu.memory_space<hbm>>
        %dma_start3A_22 = tpu.memref_squeeze %dma_start3A : memref<1x1x2048xf32, #tpu.memory_space<hbm>> -> memref<2048xf32, #tpu.memory_space<hbm>>
        %dma_start3A_23 = tpu.memref_slice %arg6[%run_scoped3A_19, %run_scoped3A_20, %add3A_15] : memref<3x1x524288xf32, #tpu.memory_space<hbm>> -> memref<1x1x2048xf32, #tpu.memory_space<hbm>>
        %dma_start3A_24 = tpu.memref_squeeze %dma_start3A_23 : memref<1x1x2048xf32, #tpu.memory_space<hbm>> -> memref<2048xf32, #tpu.memory_space<hbm>>
        tpu.enqueue_dma source(%arg13 : memref<2048xf32, #tpu.memory_space<vmem>>) target(%dma_start3A_24 : memref<2048xf32, #tpu.memory_space<hbm>>) target_semaphore(%run_scoped3A_21 : memref<!tpu.dma_semaphore, #tpu.memory_space<semaphore_mem>>)
        %dma_wait3A = tpu.memref_slice %arg6[%run_scoped3A_19, %run_scoped3A_20, %add3A_15] : memref<3x1x524288xf32, #tpu.memory_space<hbm>> -> memref<1x1x2048xf32, #tpu.memory_space<hbm>>
        %dma_wait3A_25 = tpu.memref_squeeze %dma_wait3A : memref<1x1x2048xf32, #tpu.memory_space<hbm>> -> memref<2048xf32, #tpu.memory_space<hbm>>
        %dma_wait3A_26 = tpu.memref_slice %arg6[%run_scoped3A_19, %run_scoped3A_20, %add3A_15] : memref<3x1x524288xf32, #tpu.memory_space<hbm>> -> memref<1x1x2048xf32, #tpu.memory_space<hbm>>
        %dma_wait3A_27 = tpu.memref_squeeze %dma_wait3A_26 : memref<1x1x2048xf32, #tpu.memory_space<hbm>> -> memref<2048xf32, #tpu.memory_space<hbm>>
        tpu.wait_dma2 semaphore(%run_scoped3A_21 : memref<!tpu.dma_semaphore, #tpu.memory_space<semaphore_mem>>) src(%arg13 : memref<2048xf32, #tpu.memory_space<vmem>>) dst(%dma_wait3A_27 : memref<2048xf32, #tpu.memory_space<hbm>>)
        tpu.yield
      }) : () -> ()
    }
    %scan3A_6 = arith.constant 8 : i32
    return
  }
}

module attributes {stable_mosaic.version = 14 : i64} {
  func.func @_topk_body(%arg0: i32, %arg1: i32, %arg2: memref<1x8x4096xf32, #tpu.memory_space<vmem>>, %arg3: memref<1x8x128xf32, #tpu.memory_space<vmem>>, %arg4: memref<1x128x32xi32, #tpu.memory_space<vmem>>) attributes {dimension_semantics = [#tpu.dimension_semantics<arbitrary>, #tpu.dimension_semantics<arbitrary>], iteration_bounds = array<i64: 4, 32>, scalar_prefetch = 0 : i64, scratch_operands = 0 : i64, tpu.core_type = #tpu.core_type<tc>, window_params = [{transform_indices = @transform_0, window_bounds = array<i64: 1, 8, 4096>}, {transform_indices = @transform_1, window_bounds = array<i64: 1, 8, 128>}, {transform_indices = @transform_2, window_bounds = array<i64: 1, 128, 32>}]} {
    %get3A = arith.constant 0 : index
    %get3A_0 = arith.constant 0 : index
    %get3A_1 = arith.constant 0 : index
    %get3A_2 = vector.load %arg2[%get3A, %get3A_0, %get3A_1] : memref<1x8x4096xf32, #tpu.memory_space<vmem>>, vector<1x8x4096xf32>
    %get3A_3 = vector.shape_cast %get3A_2 : vector<1x8x4096xf32> to vector<8x4096xf32>
    %get3A_4 = arith.constant 0 : index
    %get3A_5 = arith.constant 0 : index
    %get3A_6 = arith.constant 0 : index
    %get3A_7 = vector.load %arg3[%get3A_4, %get3A_5, %get3A_6] : memref<1x8x128xf32, #tpu.memory_space<vmem>>, vector<1x8x128xf32>
    %get3A_8 = vector.shape_cast %get3A_7 : vector<1x8x128xf32> to vector<8x128xf32>
    %mul3A = arith.mulf %get3A_3, %get3A_3 : vector<8x4096xf32>
    %reduce_sum3A = arith.constant dense<0.000000e+00> : vector<4096xf32>
    %reduce_sum3A_9 = vector.multi_reduction <add>, %mul3A, %reduce_sum3A [0] : vector<8x4096xf32> to vector<4096xf32>
    %mul3A_10 = arith.mulf %get3A_8, %get3A_8 : vector<8x128xf32>
    %reduce_sum3A_11 = arith.constant dense<0.000000e+00> : vector<128xf32>
    %reduce_sum3A_12 = vector.multi_reduction <add>, %mul3A_10, %reduce_sum3A_11 [0] : vector<8x128xf32> to vector<128xf32>
    %dot_general3A = arith.constant dense<0.000000e+00> : vector<128x4096xf32>
    %dot_general3A_13 = tpu.matmul %get3A_8, %get3A_3, %dot_general3A {dimension_numbers = #tpu.dot_dimension_numbers<[0], [0], [1], [1], [0, 1, 1, 1], [], []>, transpose_lhs_hint = false} : vector<8x128xf32>, vector<8x4096xf32>, vector<128x4096xf32> -> vector<128x4096xf32>
    %mul3A_14 = arith.constant 2.000000e+00 : f32
    %mul3A_15 = vector.broadcast %mul3A_14 : f32 to vector<128x4096xf32>
    %mul3A_16 = arith.mulf %mul3A_15, %dot_general3A_13 : vector<128x4096xf32>
    %broadcast_in_dim3A = vector.shape_cast %reduce_sum3A_12 : vector<128xf32> to vector<128x1xf32>
    %sub3A = vector.broadcast %broadcast_in_dim3A : vector<128x1xf32> to vector<128x4096xf32>
    %sub3A_17 = arith.subf %mul3A_16, %sub3A : vector<128x4096xf32>
    %broadcast_in_dim3A_18 = vector.shape_cast %reduce_sum3A_9 : vector<4096xf32> to vector<1x4096xf32>
    %sub3A_19 = vector.broadcast %broadcast_in_dim3A_18 : vector<1x4096xf32> to vector<128x4096xf32>
    %sub3A_20 = arith.subf %sub3A_17, %sub3A_19 : vector<128x4096xf32>
    %iota3A = tpu.iota {dimensions = array<i32: 1>} : vector<128x4096xi32>
    %mul3A_21 = arith.constant 128 : i32
    %mul3A_22 = arith.muli %arg1, %mul3A_21 : i32
    %iota3A_23 = tpu.iota {dimensions = array<i32: 0>} : vector<128x1xi32>
    %add3A = vector.broadcast %mul3A_22 : i32 to vector<128x1xi32>
    %add3A_24 = arith.addi %add3A, %iota3A_23 : vector<128x1xi32>
    %eq3A = vector.broadcast %add3A_24 : vector<128x1xi32> to vector<128x4096xi32>
    %eq3A_25 = arith.cmpi eq, %iota3A, %eq3A : vector<128x4096xi32>
    %jit3A = arith.constant -3.000000e+38 : f32
    %broadcast_in_dim3A_26 = vector.broadcast %jit3A : f32 to vector<128x4096xf32>
    %select_n3A = arith.select %eq3A_25, %broadcast_in_dim3A_26, %sub3A_20 : vector<128x4096xi1>, vector<128x4096xf32>
    %mul3A_27 = arith.constant 4096 : i32
    %mul3A_28 = arith.muli %arg0, %mul3A_27 : i32
    %argmax3A = tpu.reduce_index %select_n3A {axis = 1 : i32, kind = #tpu.reduction_kind<arg_max>} : vector<128x4096xf32> -> vector<128xi32>
    %broadcast_in_dim3A_29 = vector.shape_cast %argmax3A : vector<128xi32> to vector<128x1xi32>
    %eq3A_30 = vector.broadcast %broadcast_in_dim3A_29 : vector<128x1xi32> to vector<128x4096xi32>
    %eq3A_31 = arith.cmpi eq, %iota3A, %eq3A_30 : vector<128x4096xi32>
    %jit3A_32 = arith.constant -3.000000e+38 : f32
    %broadcast_in_dim3A_33 = vector.broadcast %jit3A_32 : f32 to vector<128x4096xf32>
    %select_n3A_34 = arith.select %eq3A_31, %broadcast_in_dim3A_33, %select_n3A : vector<128x4096xi1>, vector<128x4096xf32>
    %argmax3A_35 = tpu.reduce_index %select_n3A_34 {axis = 1 : i32, kind = #tpu.reduction_kind<arg_max>} : vector<128x4096xf32> -> vector<128xi32>
    %broadcast_in_dim3A_36 = vector.shape_cast %argmax3A_35 : vector<128xi32> to vector<128x1xi32>
    %eq3A_37 = vector.broadcast %broadcast_in_dim3A_36 : vector<128x1xi32> to vector<128x4096xi32>
    %eq3A_38 = arith.cmpi eq, %iota3A, %eq3A_37 : vector<128x4096xi32>
    %jit3A_39 = arith.constant -3.000000e+38 : f32
    %broadcast_in_dim3A_40 = vector.broadcast %jit3A_39 : f32 to vector<128x4096xf32>
    %select_n3A_41 = arith.select %eq3A_38, %broadcast_in_dim3A_40, %select_n3A_34 : vector<128x4096xi1>, vector<128x4096xf32>
    %argmax3A_42 = tpu.reduce_index %select_n3A_41 {axis = 1 : i32, kind = #tpu.reduction_kind<arg_max>} : vector<128x4096xf32> -> vector<128xi32>
    %broadcast_in_dim3A_43 = vector.shape_cast %argmax3A_42 : vector<128xi32> to vector<128x1xi32>
    %eq3A_44 = vector.broadcast %broadcast_in_dim3A_43 : vector<128x1xi32> to vector<128x4096xi32>
    %eq3A_45 = arith.cmpi eq, %iota3A, %eq3A_44 : vector<128x4096xi32>
    %jit3A_46 = arith.constant -3.000000e+38 : f32
    %broadcast_in_dim3A_47 = vector.broadcast %jit3A_46 : f32 to vector<128x4096xf32>
    %select_n3A_48 = arith.select %eq3A_45, %broadcast_in_dim3A_47, %select_n3A_41 : vector<128x4096xi1>, vector<128x4096xf32>
    %argmax3A_49 = tpu.reduce_index %select_n3A_48 {axis = 1 : i32, kind = #tpu.reduction_kind<arg_max>} : vector<128x4096xf32> -> vector<128xi32>
    %broadcast_in_dim3A_50 = vector.shape_cast %argmax3A_49 : vector<128xi32> to vector<128x1xi32>
    %eq3A_51 = vector.broadcast %broadcast_in_dim3A_50 : vector<128x1xi32> to vector<128x4096xi32>
    %eq3A_52 = arith.cmpi eq, %iota3A, %eq3A_51 : vector<128x4096xi32>
    %jit3A_53 = arith.constant -3.000000e+38 : f32
    %broadcast_in_dim3A_54 = vector.broadcast %jit3A_53 : f32 to vector<128x4096xf32>
    %select_n3A_55 = arith.select %eq3A_52, %broadcast_in_dim3A_54, %select_n3A_48 : vector<128x4096xi1>, vector<128x4096xf32>
    %argmax3A_56 = tpu.reduce_index %select_n3A_55 {axis = 1 : i32, kind = #tpu.reduction_kind<arg_max>} : vector<128x4096xf32> -> vector<128xi32>
    %broadcast_in_dim3A_57 = vector.shape_cast %argmax3A_56 : vector<128xi32> to vector<128x1xi32>
    %eq3A_58 = vector.broadcast %broadcast_in_dim3A_57 : vector<128x1xi32> to vector<128x4096xi32>
    %eq3A_59 = arith.cmpi eq, %iota3A, %eq3A_58 : vector<128x4096xi32>
    %jit3A_60 = arith.constant -3.000000e+38 : f32
    %broadcast_in_dim3A_61 = vector.broadcast %jit3A_60 : f32 to vector<128x4096xf32>
    %select_n3A_62 = arith.select %eq3A_59, %broadcast_in_dim3A_61, %select_n3A_55 : vector<128x4096xi1>, vector<128x4096xf32>
    %argmax3A_63 = tpu.reduce_index %select_n3A_62 {axis = 1 : i32, kind = #tpu.reduction_kind<arg_max>} : vector<128x4096xf32> -> vector<128xi32>
    %broadcast_in_dim3A_64 = vector.shape_cast %argmax3A_63 : vector<128xi32> to vector<128x1xi32>
    %eq3A_65 = vector.broadcast %broadcast_in_dim3A_64 : vector<128x1xi32> to vector<128x4096xi32>
    %eq3A_66 = arith.cmpi eq, %iota3A, %eq3A_65 : vector<128x4096xi32>
    %jit3A_67 = arith.constant -3.000000e+38 : f32
    %broadcast_in_dim3A_68 = vector.broadcast %jit3A_67 : f32 to vector<128x4096xf32>
    %select_n3A_69 = arith.select %eq3A_66, %broadcast_in_dim3A_68, %select_n3A_62 : vector<128x4096xi1>, vector<128x4096xf32>
    %argmax3A_70 = tpu.reduce_index %select_n3A_69 {axis = 1 : i32, kind = #tpu.reduction_kind<arg_max>} : vector<128x4096xf32> -> vector<128xi32>
    %broadcast_in_dim3A_71 = vector.shape_cast %argmax3A_70 : vector<128xi32> to vector<128x1xi32>
    %eq3A_72 = vector.broadcast %broadcast_in_dim3A_71 : vector<128x1xi32> to vector<128x4096xi32>
    %eq3A_73 = arith.cmpi eq, %iota3A, %eq3A_72 : vector<128x4096xi32>
    %jit3A_74 = arith.constant -3.000000e+38 : f32
    %broadcast_in_dim3A_75 = vector.broadcast %jit3A_74 : f32 to vector<128x4096xf32>
    %select_n3A_76 = arith.select %eq3A_73, %broadcast_in_dim3A_75, %select_n3A_69 : vector<128x4096xi1>, vector<128x4096xf32>
    %argmax3A_77 = tpu.reduce_index %select_n3A_76 {axis = 1 : i32, kind = #tpu.reduction_kind<arg_max>} : vector<128x4096xf32> -> vector<128xi32>
    %broadcast_in_dim3A_78 = vector.shape_cast %argmax3A_77 : vector<128xi32> to vector<128x1xi32>
    %eq3A_79 = vector.broadcast %broadcast_in_dim3A_78 : vector<128x1xi32> to vector<128x4096xi32>
    %eq3A_80 = arith.cmpi eq, %iota3A, %eq3A_79 : vector<128x4096xi32>
    %jit3A_81 = arith.constant -3.000000e+38 : f32
    %broadcast_in_dim3A_82 = vector.broadcast %jit3A_81 : f32 to vector<128x4096xf32>
    %select_n3A_83 = arith.select %eq3A_80, %broadcast_in_dim3A_82, %select_n3A_76 : vector<128x4096xi1>, vector<128x4096xf32>
    %argmax3A_84 = tpu.reduce_index %select_n3A_83 {axis = 1 : i32, kind = #tpu.reduction_kind<arg_max>} : vector<128x4096xf32> -> vector<128xi32>
    %broadcast_in_dim3A_85 = vector.shape_cast %argmax3A_84 : vector<128xi32> to vector<128x1xi32>
    %eq3A_86 = vector.broadcast %broadcast_in_dim3A_85 : vector<128x1xi32> to vector<128x4096xi32>
    %eq3A_87 = arith.cmpi eq, %iota3A, %eq3A_86 : vector<128x4096xi32>
    %jit3A_88 = arith.constant -3.000000e+38 : f32
    %broadcast_in_dim3A_89 = vector.broadcast %jit3A_88 : f32 to vector<128x4096xf32>
    %select_n3A_90 = arith.select %eq3A_87, %broadcast_in_dim3A_89, %select_n3A_83 : vector<128x4096xi1>, vector<128x4096xf32>
    %argmax3A_91 = tpu.reduce_index %select_n3A_90 {axis = 1 : i32, kind = #tpu.reduction_kind<arg_max>} : vector<128x4096xf32> -> vector<128xi32>
    %broadcast_in_dim3A_92 = vector.shape_cast %argmax3A_91 : vector<128xi32> to vector<128x1xi32>
    %eq3A_93 = vector.broadcast %broadcast_in_dim3A_92 : vector<128x1xi32> to vector<128x4096xi32>
    %eq3A_94 = arith.cmpi eq, %iota3A, %eq3A_93 : vector<128x4096xi32>
    %jit3A_95 = arith.constant -3.000000e+38 : f32
    %broadcast_in_dim3A_96 = vector.broadcast %jit3A_95 : f32 to vector<128x4096xf32>
    %select_n3A_97 = arith.select %eq3A_94, %broadcast_in_dim3A_96, %select_n3A_90 : vector<128x4096xi1>, vector<128x4096xf32>
    %argmax3A_98 = tpu.reduce_index %select_n3A_97 {axis = 1 : i32, kind = #tpu.reduction_kind<arg_max>} : vector<128x4096xf32> -> vector<128xi32>
    %broadcast_in_dim3A_99 = vector.shape_cast %argmax3A_98 : vector<128xi32> to vector<128x1xi32>
    %eq3A_100 = vector.broadcast %broadcast_in_dim3A_99 : vector<128x1xi32> to vector<128x4096xi32>
    %eq3A_101 = arith.cmpi eq, %iota3A, %eq3A_100 : vector<128x4096xi32>
    %jit3A_102 = arith.constant -3.000000e+38 : f32
    %broadcast_in_dim3A_103 = vector.broadcast %jit3A_102 : f32 to vector<128x4096xf32>
    %select_n3A_104 = arith.select %eq3A_101, %broadcast_in_dim3A_103, %select_n3A_97 : vector<128x4096xi1>, vector<128x4096xf32>
    %argmax3A_105 = tpu.reduce_index %select_n3A_104 {axis = 1 : i32, kind = #tpu.reduction_kind<arg_max>} : vector<128x4096xf32> -> vector<128xi32>
    %broadcast_in_dim3A_106 = vector.shape_cast %argmax3A_105 : vector<128xi32> to vector<128x1xi32>
    %eq3A_107 = vector.broadcast %broadcast_in_dim3A_106 : vector<128x1xi32> to vector<128x4096xi32>
    %eq3A_108 = arith.cmpi eq, %iota3A, %eq3A_107 : vector<128x4096xi32>
    %jit3A_109 = arith.constant -3.000000e+38 : f32
    %broadcast_in_dim3A_110 = vector.broadcast %jit3A_109 : f32 to vector<128x4096xf32>
    %select_n3A_111 = arith.select %eq3A_108, %broadcast_in_dim3A_110, %select_n3A_104 : vector<128x4096xi1>, vector<128x4096xf32>
    %argmax3A_112 = tpu.reduce_index %select_n3A_111 {axis = 1 : i32, kind = #tpu.reduction_kind<arg_max>} : vector<128x4096xf32> -> vector<128xi32>
    %broadcast_in_dim3A_113 = vector.shape_cast %argmax3A_112 : vector<128xi32> to vector<128x1xi32>
    %eq3A_114 = vector.broadcast %broadcast_in_dim3A_113 : vector<128x1xi32> to vector<128x4096xi32>
    %eq3A_115 = arith.cmpi eq, %iota3A, %eq3A_114 : vector<128x4096xi32>
    %jit3A_116 = arith.constant -3.000000e+38 : f32
    %broadcast_in_dim3A_117 = vector.broadcast %jit3A_116 : f32 to vector<128x4096xf32>
    %select_n3A_118 = arith.select %eq3A_115, %broadcast_in_dim3A_117, %select_n3A_111 : vector<128x4096xi1>, vector<128x4096xf32>
    %argmax3A_119 = tpu.reduce_index %select_n3A_118 {axis = 1 : i32, kind = #tpu.reduction_kind<arg_max>} : vector<128x4096xf32> -> vector<128xi32>
    %broadcast_in_dim3A_120 = vector.shape_cast %argmax3A_119 : vector<128xi32> to vector<128x1xi32>
    %eq3A_121 = vector.broadcast %broadcast_in_dim3A_120 : vector<128x1xi32> to vector<128x4096xi32>
    %eq3A_122 = arith.cmpi eq, %iota3A, %eq3A_121 : vector<128x4096xi32>
    %jit3A_123 = arith.constant -3.000000e+38 : f32
    %broadcast_in_dim3A_124 = vector.broadcast %jit3A_123 : f32 to vector<128x4096xf32>
    %select_n3A_125 = arith.select %eq3A_122, %broadcast_in_dim3A_124, %select_n3A_118 : vector<128x4096xi1>, vector<128x4096xf32>
    %argmax3A_126 = tpu.reduce_index %select_n3A_125 {axis = 1 : i32, kind = #tpu.reduction_kind<arg_max>} : vector<128x4096xf32> -> vector<128xi32>
    %broadcast_in_dim3A_127 = vector.shape_cast %argmax3A_126 : vector<128xi32> to vector<128x1xi32>
    %eq3A_128 = vector.broadcast %broadcast_in_dim3A_127 : vector<128x1xi32> to vector<128x4096xi32>
    %eq3A_129 = arith.cmpi eq, %iota3A, %eq3A_128 : vector<128x4096xi32>
    %jit3A_130 = arith.constant -3.000000e+38 : f32
    %broadcast_in_dim3A_131 = vector.broadcast %jit3A_130 : f32 to vector<128x4096xf32>
    %select_n3A_132 = arith.select %eq3A_129, %broadcast_in_dim3A_131, %select_n3A_125 : vector<128x4096xi1>, vector<128x4096xf32>
    %argmax3A_133 = tpu.reduce_index %select_n3A_132 {axis = 1 : i32, kind = #tpu.reduction_kind<arg_max>} : vector<128x4096xf32> -> vector<128xi32>
    %broadcast_in_dim3A_134 = vector.shape_cast %argmax3A_133 : vector<128xi32> to vector<128x1xi32>
    %eq3A_135 = vector.broadcast %broadcast_in_dim3A_134 : vector<128x1xi32> to vector<128x4096xi32>
    %eq3A_136 = arith.cmpi eq, %iota3A, %eq3A_135 : vector<128x4096xi32>
    %jit3A_137 = arith.constant -3.000000e+38 : f32
    %broadcast_in_dim3A_138 = vector.broadcast %jit3A_137 : f32 to vector<128x4096xf32>
    %select_n3A_139 = arith.select %eq3A_136, %broadcast_in_dim3A_138, %select_n3A_132 : vector<128x4096xi1>, vector<128x4096xf32>
    %argmax3A_140 = tpu.reduce_index %select_n3A_139 {axis = 1 : i32, kind = #tpu.reduction_kind<arg_max>} : vector<128x4096xf32> -> vector<128xi32>
    %broadcast_in_dim3A_141 = vector.shape_cast %argmax3A_140 : vector<128xi32> to vector<128x1xi32>
    %eq3A_142 = vector.broadcast %broadcast_in_dim3A_141 : vector<128x1xi32> to vector<128x4096xi32>
    %eq3A_143 = arith.cmpi eq, %iota3A, %eq3A_142 : vector<128x4096xi32>
    %jit3A_144 = arith.constant -3.000000e+38 : f32
    %broadcast_in_dim3A_145 = vector.broadcast %jit3A_144 : f32 to vector<128x4096xf32>
    %select_n3A_146 = arith.select %eq3A_143, %broadcast_in_dim3A_145, %select_n3A_139 : vector<128x4096xi1>, vector<128x4096xf32>
    %argmax3A_147 = tpu.reduce_index %select_n3A_146 {axis = 1 : i32, kind = #tpu.reduction_kind<arg_max>} : vector<128x4096xf32> -> vector<128xi32>
    %broadcast_in_dim3A_148 = vector.shape_cast %argmax3A_147 : vector<128xi32> to vector<128x1xi32>
    %eq3A_149 = vector.broadcast %broadcast_in_dim3A_148 : vector<128x1xi32> to vector<128x4096xi32>
    %eq3A_150 = arith.cmpi eq, %iota3A, %eq3A_149 : vector<128x4096xi32>
    %jit3A_151 = arith.constant -3.000000e+38 : f32
    %broadcast_in_dim3A_152 = vector.broadcast %jit3A_151 : f32 to vector<128x4096xf32>
    %select_n3A_153 = arith.select %eq3A_150, %broadcast_in_dim3A_152, %select_n3A_146 : vector<128x4096xi1>, vector<128x4096xf32>
    %argmax3A_154 = tpu.reduce_index %select_n3A_153 {axis = 1 : i32, kind = #tpu.reduction_kind<arg_max>} : vector<128x4096xf32> -> vector<128xi32>
    %broadcast_in_dim3A_155 = vector.shape_cast %argmax3A_154 : vector<128xi32> to vector<128x1xi32>
    %eq3A_156 = vector.broadcast %broadcast_in_dim3A_155 : vector<128x1xi32> to vector<128x4096xi32>
    %eq3A_157 = arith.cmpi eq, %iota3A, %eq3A_156 : vector<128x4096xi32>
    %jit3A_158 = arith.constant -3.000000e+38 : f32
    %broadcast_in_dim3A_159 = vector.broadcast %jit3A_158 : f32 to vector<128x4096xf32>
    %select_n3A_160 = arith.select %eq3A_157, %broadcast_in_dim3A_159, %select_n3A_153 : vector<128x4096xi1>, vector<128x4096xf32>
    %argmax3A_161 = tpu.reduce_index %select_n3A_160 {axis = 1 : i32, kind = #tpu.reduction_kind<arg_max>} : vector<128x4096xf32> -> vector<128xi32>
    %broadcast_in_dim3A_162 = vector.shape_cast %argmax3A_161 : vector<128xi32> to vector<128x1xi32>
    %eq3A_163 = vector.broadcast %broadcast_in_dim3A_162 : vector<128x1xi32> to vector<128x4096xi32>
    %eq3A_164 = arith.cmpi eq, %iota3A, %eq3A_163 : vector<128x4096xi32>
    %jit3A_165 = arith.constant -3.000000e+38 : f32
    %broadcast_in_dim3A_166 = vector.broadcast %jit3A_165 : f32 to vector<128x4096xf32>
    %select_n3A_167 = arith.select %eq3A_164, %broadcast_in_dim3A_166, %select_n3A_160 : vector<128x4096xi1>, vector<128x4096xf32>
    %argmax3A_168 = tpu.reduce_index %select_n3A_167 {axis = 1 : i32, kind = #tpu.reduction_kind<arg_max>} : vector<128x4096xf32> -> vector<128xi32>
    %broadcast_in_dim3A_169 = vector.shape_cast %argmax3A_168 : vector<128xi32> to vector<128x1xi32>
    %eq3A_170 = vector.broadcast %broadcast_in_dim3A_169 : vector<128x1xi32> to vector<128x4096xi32>
    %eq3A_171 = arith.cmpi eq, %iota3A, %eq3A_170 : vector<128x4096xi32>
    %jit3A_172 = arith.constant -3.000000e+38 : f32
    %broadcast_in_dim3A_173 = vector.broadcast %jit3A_172 : f32 to vector<128x4096xf32>
    %select_n3A_174 = arith.select %eq3A_171, %broadcast_in_dim3A_173, %select_n3A_167 : vector<128x4096xi1>, vector<128x4096xf32>
    %argmax3A_175 = tpu.reduce_index %select_n3A_174 {axis = 1 : i32, kind = #tpu.reduction_kind<arg_max>} : vector<128x4096xf32> -> vector<128xi32>
    %broadcast_in_dim3A_176 = vector.shape_cast %argmax3A_175 : vector<128xi32> to vector<128x1xi32>
    %eq3A_177 = vector.broadcast %broadcast_in_dim3A_176 : vector<128x1xi32> to vector<128x4096xi32>
    %eq3A_178 = arith.cmpi eq, %iota3A, %eq3A_177 : vector<128x4096xi32>
    %jit3A_179 = arith.constant -3.000000e+38 : f32
    %broadcast_in_dim3A_180 = vector.broadcast %jit3A_179 : f32 to vector<128x4096xf32>
    %select_n3A_181 = arith.select %eq3A_178, %broadcast_in_dim3A_180, %select_n3A_174 : vector<128x4096xi1>, vector<128x4096xf32>
    %argmax3A_182 = tpu.reduce_index %select_n3A_181 {axis = 1 : i32, kind = #tpu.reduction_kind<arg_max>} : vector<128x4096xf32> -> vector<128xi32>
    %broadcast_in_dim3A_183 = vector.shape_cast %argmax3A_182 : vector<128xi32> to vector<128x1xi32>
    %eq3A_184 = vector.broadcast %broadcast_in_dim3A_183 : vector<128x1xi32> to vector<128x4096xi32>
    %eq3A_185 = arith.cmpi eq, %iota3A, %eq3A_184 : vector<128x4096xi32>
    %jit3A_186 = arith.constant -3.000000e+38 : f32
    %broadcast_in_dim3A_187 = vector.broadcast %jit3A_186 : f32 to vector<128x4096xf32>
    %select_n3A_188 = arith.select %eq3A_185, %broadcast_in_dim3A_187, %select_n3A_181 : vector<128x4096xi1>, vector<128x4096xf32>
    %argmax3A_189 = tpu.reduce_index %select_n3A_188 {axis = 1 : i32, kind = #tpu.reduction_kind<arg_max>} : vector<128x4096xf32> -> vector<128xi32>
    %broadcast_in_dim3A_190 = vector.shape_cast %argmax3A_189 : vector<128xi32> to vector<128x1xi32>
    %eq3A_191 = vector.broadcast %broadcast_in_dim3A_190 : vector<128x1xi32> to vector<128x4096xi32>
    %eq3A_192 = arith.cmpi eq, %iota3A, %eq3A_191 : vector<128x4096xi32>
    %jit3A_193 = arith.constant -3.000000e+38 : f32
    %broadcast_in_dim3A_194 = vector.broadcast %jit3A_193 : f32 to vector<128x4096xf32>
    %select_n3A_195 = arith.select %eq3A_192, %broadcast_in_dim3A_194, %select_n3A_188 : vector<128x4096xi1>, vector<128x4096xf32>
    %argmax3A_196 = tpu.reduce_index %select_n3A_195 {axis = 1 : i32, kind = #tpu.reduction_kind<arg_max>} : vector<128x4096xf32> -> vector<128xi32>
    %broadcast_in_dim3A_197 = vector.shape_cast %argmax3A_196 : vector<128xi32> to vector<128x1xi32>
    %eq3A_198 = vector.broadcast %broadcast_in_dim3A_197 : vector<128x1xi32> to vector<128x4096xi32>
    %eq3A_199 = arith.cmpi eq, %iota3A, %eq3A_198 : vector<128x4096xi32>
    %jit3A_200 = arith.constant -3.000000e+38 : f32
    %broadcast_in_dim3A_201 = vector.broadcast %jit3A_200 : f32 to vector<128x4096xf32>
    %select_n3A_202 = arith.select %eq3A_199, %broadcast_in_dim3A_201, %select_n3A_195 : vector<128x4096xi1>, vector<128x4096xf32>
    %argmax3A_203 = tpu.reduce_index %select_n3A_202 {axis = 1 : i32, kind = #tpu.reduction_kind<arg_max>} : vector<128x4096xf32> -> vector<128xi32>
    %broadcast_in_dim3A_204 = vector.shape_cast %argmax3A_203 : vector<128xi32> to vector<128x1xi32>
    %eq3A_205 = vector.broadcast %broadcast_in_dim3A_204 : vector<128x1xi32> to vector<128x4096xi32>
    %eq3A_206 = arith.cmpi eq, %iota3A, %eq3A_205 : vector<128x4096xi32>
    %jit3A_207 = arith.constant -3.000000e+38 : f32
    %broadcast_in_dim3A_208 = vector.broadcast %jit3A_207 : f32 to vector<128x4096xf32>
    %select_n3A_209 = arith.select %eq3A_206, %broadcast_in_dim3A_208, %select_n3A_202 : vector<128x4096xi1>, vector<128x4096xf32>
    %argmax3A_210 = tpu.reduce_index %select_n3A_209 {axis = 1 : i32, kind = #tpu.reduction_kind<arg_max>} : vector<128x4096xf32> -> vector<128xi32>
    %broadcast_in_dim3A_211 = vector.shape_cast %argmax3A_210 : vector<128xi32> to vector<128x1xi32>
    %eq3A_212 = vector.broadcast %broadcast_in_dim3A_211 : vector<128x1xi32> to vector<128x4096xi32>
    %eq3A_213 = arith.cmpi eq, %iota3A, %eq3A_212 : vector<128x4096xi32>
    %jit3A_214 = arith.constant -3.000000e+38 : f32
    %broadcast_in_dim3A_215 = vector.broadcast %jit3A_214 : f32 to vector<128x4096xf32>
    %select_n3A_216 = arith.select %eq3A_213, %broadcast_in_dim3A_215, %select_n3A_209 : vector<128x4096xi1>, vector<128x4096xf32>
    %argmax3A_217 = tpu.reduce_index %select_n3A_216 {axis = 1 : i32, kind = #tpu.reduction_kind<arg_max>} : vector<128x4096xf32> -> vector<128xi32>
    %broadcast_in_dim3A_218 = vector.shape_cast %argmax3A_217 : vector<128xi32> to vector<128x1xi32>
    %eq3A_219 = vector.broadcast %broadcast_in_dim3A_218 : vector<128x1xi32> to vector<128x4096xi32>
    %eq3A_220 = arith.cmpi eq, %iota3A, %eq3A_219 : vector<128x4096xi32>
    %jit3A_221 = arith.constant -3.000000e+38 : f32
    %broadcast_in_dim3A_222 = vector.broadcast %jit3A_221 : f32 to vector<128x4096xf32>
    %select_n3A_223 = arith.select %eq3A_220, %broadcast_in_dim3A_222, %select_n3A_216 : vector<128x4096xi1>, vector<128x4096xf32>
    %argmax3A_224 = tpu.reduce_index %select_n3A_223 {axis = 1 : i32, kind = #tpu.reduction_kind<arg_max>} : vector<128x4096xf32> -> vector<128xi32>
    %broadcast_in_dim3A_225 = vector.shape_cast %argmax3A_224 : vector<128xi32> to vector<128x1xi32>
    %eq3A_226 = vector.broadcast %broadcast_in_dim3A_225 : vector<128x1xi32> to vector<128x4096xi32>
    %eq3A_227 = arith.cmpi eq, %iota3A, %eq3A_226 : vector<128x4096xi32>
    %jit3A_228 = arith.constant -3.000000e+38 : f32
    %broadcast_in_dim3A_229 = vector.broadcast %jit3A_228 : f32 to vector<128x4096xf32>
    %select_n3A_230 = arith.select %eq3A_227, %broadcast_in_dim3A_229, %select_n3A_223 : vector<128x4096xi1>, vector<128x4096xf32>
    %argmax3A_231 = tpu.reduce_index %select_n3A_230 {axis = 1 : i32, kind = #tpu.reduction_kind<arg_max>} : vector<128x4096xf32> -> vector<128xi32>
    %broadcast_in_dim3A_232 = vector.shape_cast %argmax3A_231 : vector<128xi32> to vector<128x1xi32>
    %eq3A_233 = vector.broadcast %broadcast_in_dim3A_232 : vector<128x1xi32> to vector<128x4096xi32>
    %eq3A_234 = arith.cmpi eq, %iota3A, %eq3A_233 : vector<128x4096xi32>
    %jit3A_235 = arith.constant -3.000000e+38 : f32
    %broadcast_in_dim3A_236 = vector.broadcast %jit3A_235 : f32 to vector<128x4096xf32>
    %select_n3A_237 = arith.select %eq3A_234, %broadcast_in_dim3A_236, %select_n3A_230 : vector<128x4096xi1>, vector<128x4096xf32>
    %argmax3A_238 = tpu.reduce_index %select_n3A_237 {axis = 1 : i32, kind = #tpu.reduction_kind<arg_max>} : vector<128x4096xf32> -> vector<128xi32>
    %broadcast_in_dim3A_239 = vector.shape_cast %argmax3A_238 : vector<128xi32> to vector<128x1xi32>
    %concatenate3A = tpu.concatenate %add3A_24, %broadcast_in_dim3A_29, %broadcast_in_dim3A_36, %broadcast_in_dim3A_43, %broadcast_in_dim3A_50, %broadcast_in_dim3A_57, %broadcast_in_dim3A_64, %broadcast_in_dim3A_71, %broadcast_in_dim3A_78, %broadcast_in_dim3A_85, %broadcast_in_dim3A_92, %broadcast_in_dim3A_99, %broadcast_in_dim3A_106, %broadcast_in_dim3A_113, %broadcast_in_dim3A_120, %broadcast_in_dim3A_127, %broadcast_in_dim3A_134, %broadcast_in_dim3A_141, %broadcast_in_dim3A_148, %broadcast_in_dim3A_155, %broadcast_in_dim3A_162, %broadcast_in_dim3A_169, %broadcast_in_dim3A_176, %broadcast_in_dim3A_183, %broadcast_in_dim3A_190, %broadcast_in_dim3A_197, %broadcast_in_dim3A_204, %broadcast_in_dim3A_211, %broadcast_in_dim3A_218, %broadcast_in_dim3A_225, %broadcast_in_dim3A_232, %broadcast_in_dim3A_239 in 1 : vector<128x1xi32>, vector<128x1xi32>, vector<128x1xi32>, vector<128x1xi32>, vector<128x1xi32>, vector<128x1xi32>, vector<128x1xi32>, vector<128x1xi32>, vector<128x1xi32>, vector<128x1xi32>, vector<128x1xi32>, vector<128x1xi32>, vector<128x1xi32>, vector<128x1xi32>, vector<128x1xi32>, vector<128x1xi32>, vector<128x1xi32>, vector<128x1xi32>, vector<128x1xi32>, vector<128x1xi32>, vector<128x1xi32>, vector<128x1xi32>, vector<128x1xi32>, vector<128x1xi32>, vector<128x1xi32>, vector<128x1xi32>, vector<128x1xi32>, vector<128x1xi32>, vector<128x1xi32>, vector<128x1xi32>, vector<128x1xi32>, vector<128x1xi32> -> vector<128x32xi32>
    %add3A_240 = vector.broadcast %mul3A_28 : i32 to vector<128x32xi32>
    %add3A_241 = arith.addi %concatenate3A, %add3A_240 : vector<128x32xi32>
    %swap3A = arith.constant 0 : index
    %swap3A_242 = arith.constant 0 : index
    %swap3A_243 = arith.constant 0 : index
    %swap3A_244 = vector.load %arg4[%swap3A, %swap3A_242, %swap3A_243] : memref<1x128x32xi32, #tpu.memory_space<vmem>>, vector<1x128x32xi32>
    %swap3A_245 = vector.shape_cast %swap3A_244 : vector<1x128x32xi32> to vector<128x32xi32>
    %swap3A_246 = vector.shape_cast %add3A_241 : vector<128x32xi32> to vector<1x128x32xi32>
    tpu.vector_store %arg4[%swap3A, %swap3A_242, %swap3A_243], %swap3A_246 {strides = array<i32>} : memref<1x128x32xi32, #tpu.memory_space<vmem>>, vector<1x128x32xi32>,
    return
  }
  func.func @transform_0(%arg0: i32, %arg1: i32) -> (i32, i32, i32) {
    %c0_i32 = arith.constant 0 : i32
    %c0_i32_0 = arith.constant 0 : i32
    %c0_i32_1 = arith.constant 0 : i32
    return %arg0, %c0_i32, %c0_i32_0 : i32, i32, i32
  }
  func.func @transform_1(%arg0: i32, %arg1: i32) -> (i32, i32, i32) {
    %c0_i32 = arith.constant 0 : i32
    %c0_i32_0 = arith.constant 0 : i32
    return %arg0, %c0_i32, %arg1 : i32, i32, i32
  }
  func.func @transform_2(%arg0: i32, %arg1: i32) -> (i32, i32, i32) {
    %c0_i32 = arith.constant 0 : i32
    %c0_i32_0 = arith.constant 0 : i32
    return %arg0, %arg1, %c0_i32 : i32, i32, i32
  }
}

module attributes {stable_mosaic.version = 14 : i64} {
  func.func @_conv_body(%arg0: i32, %arg1: i32, %arg2: memref<3x1x1x1x4096xf32, #tpu.memory_space<vmem>>, %arg3: memref<1x8x128xf32, #tpu.memory_space<vmem>>, %arg4: memref<3x64xf32, #tpu.memory_space<vmem>>, %arg5: memref<8x64xf32, #tpu.memory_space<vmem>>, %arg6: memref<64x64xf32, #tpu.memory_space<vmem>>, %arg7: memref<1x128x64xf32, #tpu.memory_space<vmem>>) attributes {dimension_semantics = [#tpu.dimension_semantics<arbitrary>, #tpu.dimension_semantics<arbitrary>], iteration_bounds = array<i64: 4, 32>, scalar_prefetch = 0 : i64, scratch_operands = 0 : i64, tpu.core_type = #tpu.core_type<tc>, window_params = [{transform_indices = @transform_0, window_bounds = array<i64: 3, 1, 1, 1, 4096>}, {transform_indices = @transform_1, window_bounds = array<i64: 1, 8, 128>}, {pipeline_mode = #tpu.pipeline_mode<synchronous>, transform_indices = @transform_2, window_bounds = array<i64: 3, 64>}, {pipeline_mode = #tpu.pipeline_mode<synchronous>, transform_indices = @transform_3, window_bounds = array<i64: 8, 64>}, {pipeline_mode = #tpu.pipeline_mode<synchronous>, transform_indices = @transform_4, window_bounds = array<i64: 64, 64>}, {transform_indices = @transform_5, window_bounds = array<i64: 1, 128, 64>}]} {
    %get3A = arith.constant 0 : index
    %get3A_0 = arith.constant 0 : index
    %get3A_1 = arith.constant 0 : index
    %get3A_2 = vector.load %arg3[%get3A, %get3A_0, %get3A_1] : memref<1x8x128xf32, #tpu.memory_space<vmem>>, vector<1x8x128xf32>
    %get3A_3 = vector.shape_cast %get3A_2 : vector<1x8x128xf32> to vector<8x128xf32>
    %get3A_4 = arith.constant 0 : index
    %get3A_5 = arith.constant 0 : index
    %get3A_6 = arith.constant 0 : index
    %get3A_7 = arith.constant 0 : index
    %get3A_8 = arith.constant 0 : index
    %get3A_9 = vector.load %arg2[%get3A_4, %get3A_5, %get3A_6, %get3A_7, %get3A_8] : memref<3x1x1x1x4096xf32, #tpu.memory_space<vmem>>, vector<3x1x1x1x4096xf32>
    %get3A_10 = vector.shape_cast %get3A_9 : vector<3x1x1x1x4096xf32> to vector<3x4096xf32>
    %get3A_11 = arith.constant 0 : index
    %get3A_12 = arith.constant 0 : index
    %get3A_13 = vector.load %arg5[%get3A_11, %get3A_12] : memref<8x64xf32, #tpu.memory_space<vmem>>, vector<8x64xf32>
    %dot_general3A = arith.constant dense<0.000000e+00> : vector<128x64xf32>
    %dot_general3A_14 = tpu.matmul %get3A_3, %get3A_13, %dot_general3A {dimension_numbers = #tpu.dot_dimension_numbers<[0], [0], [1], [1], [0, 1, 1, 1], [], []>, transpose_lhs_hint = false} : vector<8x128xf32>, vector<8x64xf32>, vector<128x64xf32> -> vector<128x64xf32>
    %broadcast_in_dim3A = vector.shape_cast %dot_general3A_14 : vector<128x64xf32> to vector<128x1x64xf32>
    %broadcast_in_dim3A_15 = vector.shape_cast %broadcast_in_dim3A : vector<128x1x64xf32> to vector<128x1x64xf32>
    %broadcast_in_dim3A_16 = vector.broadcast %broadcast_in_dim3A_15 : vector<128x1x64xf32> to vector<128x32x64xf32>
    %reshape3A = vector.shape_cast %broadcast_in_dim3A_16 : vector<128x32x64xf32> to vector<4096x64xf32>
    %get3A_17 = arith.constant 0 : index
    %get3A_18 = arith.constant 0 : index
    %get3A_19 = vector.load %arg4[%get3A_17, %get3A_18] : memref<3x64xf32, #tpu.memory_space<vmem>>, vector<3x64xf32>
    %dot_general3A_20 = arith.constant dense<0.000000e+00> : vector<4096x64xf32>
    %dot_general3A_21 = tpu.matmul %get3A_10, %get3A_19, %dot_general3A_20 {dimension_numbers = #tpu.dot_dimension_numbers<[0], [0], [1], [1], [0, 1, 1, 1], [], []>, transpose_lhs_hint = false} : vector<3x4096xf32>, vector<3x64xf32>, vector<4096x64xf32> -> vector<4096x64xf32>
    %add3A = arith.addf %dot_general3A_21, %reshape3A : vector<4096x64xf32>
    %ge3A = arith.constant 0.000000e+00 : f32
    %ge3A_22 = vector.broadcast %ge3A : f32 to vector<4096x64xf32>
    %ge3A_23 = arith.cmpf oge, %add3A, %ge3A_22 : vector<4096x64xf32>
    %mul3A = arith.constant 2.000000e-01 : f32
    %mul3A_24 = vector.broadcast %mul3A : f32 to vector<4096x64xf32>
    %mul3A_25 = arith.mulf %mul3A_24, %add3A : vector<4096x64xf32>
    %select_n3A = arith.select %ge3A_23, %add3A, %mul3A_25 : vector<4096x64xi1>, vector<4096x64xf32>
    %get3A_26 = arith.constant 0 : index
    %get3A_27 = arith.constant 0 : index
    %get3A_28 = vector.load %arg6[%get3A_26, %get3A_27] : memref<64x64xf32, #tpu.memory_space<vmem>>, vector<64x64xf32>
    %dot_general3A_29 = arith.constant dense<0.000000e+00> : vector<4096x64xf32>
    %dot_general3A_30 = tpu.matmul %select_n3A, %get3A_28, %dot_general3A_29 {dimension_numbers = #tpu.dot_dimension_numbers<[1], [0], [0], [1], [0, 0, 1, 1], [], []>, transpose_lhs_hint = false} : vector<4096x64xf32>, vector<64x64xf32>, vector<4096x64xf32> -> vector<4096x64xf32>
    %ge3A_31 = arith.constant 0.000000e+00 : f32
    %ge3A_32 = vector.broadcast %ge3A_31 : f32 to vector<4096x64xf32>
    %ge3A_33 = arith.cmpf oge, %dot_general3A_30, %ge3A_32 : vector<4096x64xf32>
    %mul3A_34 = arith.constant 2.000000e-01 : f32
    %mul3A_35 = vector.broadcast %mul3A_34 : f32 to vector<4096x64xf32>
    %mul3A_36 = arith.mulf %mul3A_35, %dot_general3A_30 : vector<4096x64xf32>
    %select_n3A_37 = arith.select %ge3A_33, %dot_general3A_30, %mul3A_36 : vector<4096x64xi1>, vector<4096x64xf32>
    %reshape3A_38 = vector.shape_cast %select_n3A_37 : vector<4096x64xf32> to vector<128x32x64xf32>
    %reduce_max3A = arith.constant dense<0xFF800000> : vector<128x64xf32>
    %reduce_max3A_39 = vector.multi_reduction <maximumf>, %reshape3A_38, %reduce_max3A [1] : vector<128x32x64xf32> to vector<128x64xf32>
    %swap3A = arith.constant 0 : index
    %swap3A_40 = arith.constant 0 : index
    %swap3A_41 = arith.constant 0 : index
    %swap3A_42 = vector.load %arg7[%swap3A, %swap3A_40, %swap3A_41] : memref<1x128x64xf32, #tpu.memory_space<vmem>>, vector<1x128x64xf32>
    %swap3A_43 = vector.shape_cast %swap3A_42 : vector<1x128x64xf32> to vector<128x64xf32>
    %swap3A_44 = vector.shape_cast %reduce_max3A_39 : vector<128x64xf32> to vector<1x128x64xf32>
    tpu.vector_store %arg7[%swap3A, %swap3A_40, %swap3A_41], %swap3A_44 {strides = array<i32>} : memref<1x128x64xf32, #tpu.memory_space<vmem>>, vector<1x128x64xf32>,
    return
  }
  func.func @transform_0(%arg0: i32, %arg1: i32) -> (i32, i32, i32, i32, i32) {
    %c0_i32 = arith.constant 0 : i32
    %c0_i32_0 = arith.constant 0 : i32
    %c0_i32_1 = arith.constant 0 : i32
    %c0_i32_2 = arith.constant 0 : i32
    return %c0_i32, %arg0, %arg1, %c0_i32_0, %c0_i32_1 : i32, i32, i32, i32, i32
  }
  func.func @transform_1(%arg0: i32, %arg1: i32) -> (i32, i32, i32) {
    %c0_i32 = arith.constant 0 : i32
    %c0_i32_0 = arith.constant 0 : i32
    return %arg0, %c0_i32, %arg1 : i32, i32, i32
  }
  func.func @transform_2(%arg0: i32, %arg1: i32) -> (i32, i32) {
    %c0_i32 = arith.constant 0 : i32
    %c0_i32_0 = arith.constant 0 : i32
    %c0_i32_1 = arith.constant 0 : i32
    return %c0_i32, %c0_i32_0 : i32, i32
  }
  func.func @transform_3(%arg0: i32, %arg1: i32) -> (i32, i32) {
    %c0_i32 = arith.constant 0 : i32
    %c0_i32_0 = arith.constant 0 : i32
    %c0_i32_1 = arith.constant 0 : i32
    return %c0_i32, %c0_i32_0 : i32, i32
  }
  func.func @transform_4(%arg0: i32, %arg1: i32) -> (i32, i32) {
    %c0_i32 = arith.constant 0 : i32
    %c0_i32_0 = arith.constant 0 : i32
    %c0_i32_1 = arith.constant 0 : i32
    return %c0_i32, %c0_i32_0 : i32, i32
  }
  func.func @transform_5(%arg0: i32, %arg1: i32) -> (i32, i32, i32) {
    %c0_i32 = arith.constant 0 : i32
    %c0_i32_0 = arith.constant 0 : i32
    return %arg0, %arg1, %c0_i32 : i32, i32, i32
  }
}

</mosaic_0001>

<sc_bundles>
// kernel: kernel.5.cloned.1.call-start
scs
__scs_entry_jumppad:
0x0: {  	(pc) =	sbr.rel $0x88, $3  }
0x1: {  	(tag) =	ssettag $0x0;
	lr =	simm.s32 $0x1  }
0x2: {  	[smem:$0x3F9E] =	sst lr;
	_ =	strace $0xD0000000  }
0x3: {  	_ = 	snop  }
0x4: {  	_ = 	snop  }
0x5: {  	_ = 	snop  }
0x6: {  	_ = 	snop  }
0x7: {  	_ = 	snop  }
__scs_overlays_trampoline_lowered:
0x8: {  	[smem:$0x3FAD] =	sst s0  }
0x9: {  	[smem:$0x3FAE] =	sst s1  }
0xa: {  	[smem:$0x3FAF] =	sst s2  }
0xb: {  	[smem:$0x3FB0] =	sst s3  }
0xc: {  	[smem:$0x3FB1] =	sst s4  }
0xd: {  	[smem:$0x3FB2] =	sst s5  }
0xe: {  	[smem:$0x3FB3] =	sst s6  }
0xf: {  	[smem:$0x3FB4] =	sst s7  }
0x10: {  	[smem:$0x3FB5] =	sst s8  }
0x11: {  	[smem:$0x3FB6] =	sst s9;
	s0 =	simm.s32 @!p0 $0x0  }
0x12: {  	s1 =	sld [smem:$0x3F9C];
	s0 =	simm.s32 @p0 $0x1  }
0x13: {  	[smem:$0x3FB7] =	sst s0;
	s0 =	simm.s32 @!p1 $0x0  }
0x14: {  	s2 =	sld [smem:$0x3F9B];
	s0 =	simm.s32 @p1 $0x1  }
0x15: {  	[smem:$0x3FB8] =	sst s0;
	s0 =	simm.s32 @!p2 $0x0  }
0x16: {  	s3 =	sld [smem:$0x3FDB];
	s0 =	simm.s32 @p2 $0x1  }
0x17: {  	s4 =	simm.s32 $0x1BF5;
	[smem:$0x3FBA] =	sst s0  }
0x18: {  	s0 =	sld [smem:$0x3F9D];
	_ =	swait.ge [sflag:s4], $0x0  }
0x19: {  	s7 =	sld [smem:$0x3F9E]  }
0x1a: {  	s8 =	sadd.s32 $0xFFFFE003, lr  }
0x1b: {  	s9 =	sadd.s32 $0xFFFFFEF7, lr;
	s5 =	simm.s32 $0xFFFFFFFF;
	p2 =	slt.u32 s8, $0xFFFFF086  }
0x1c: {  	p1 =	slt.u32 s9, $0xF7A;
	s5 =	simm.s32 @!p2 $0x0  }
0x1d: {  	s5 =	simm.s32 @p1 $0x1;
	p0 =	seq.s32 s7, s2  }
0x1e: {  	s7 =	smul.u32 @!p0 $0xF7A, s2;
	p2 =	seq.s32 @!p0 s5, $0x0  }
0x1f: {  	s9 =	smul.u32 $0xF7A, s1;
	s8 =	simm.s32 @!p0 $0x1BF5;
	p2 =	por !p2, p0  }
0x20: {  	[sflag:s8] =	ssyncset.s32 @!p0 $0xFFFFF086;
	s6 =	sadd.s32 @!p0 s3, s7;
	s7 =	simm.s32 @!p0 $0x108  }
0x21: {  	s3 =	sadd.s32 s3, s9;
	s6 =	sadd.s32 @!p0 $0x88, s6;
	s7 =	simm.s32 @p2 $0x1082  }
0x22: {  	[simem:s7], [sflag:s8] =	dma.local @!p0 [hbm:s6], $0xF7A  }
0x23: {  	s9 =	sor.u32 $0xD0000000, s2;
	s6 =	simm.s32 $0x108;
	_ =	swait.ge @!p0 [sflag:s8], $0x0  }
0x24: {  	s3 =	sadd.s32 $0x88, s3;
	s6 =	simm.s32 @!p1 $0x1082;
	[sflag:s4] =	ssyncset.s32 $0xFFFFF086  }
0x25: {  	[simem:s6], [sflag:s4] =	dma.local [hbm:s3], $0xF7A  }
0x26: {  	[smem:$0x3F9E] =	sst s1;
	(tag) =	ssettag s2;
	_ =	strace s9  }
0x27: {  	s1 =	sld [smem:$0x3FAE]  }
0x28: {  	s2 =	sld [smem:$0x3FAF]  }
0x29: {  	s4 =	sld [smem:$0x3FB1]  }
0x2a: {  	p0 =	seq.s32 s5, $0x0;
	s5 =	sld [smem:$0x3FB2]  }
0x2b: {  	s6 =	sld [smem:$0x3FB3]  }
0x2c: {  	s7 =	sld [smem:$0x3FB4]  }
0x2d: {  	s3 =	simm.s32 $0x108;
	s8 =	sld [smem:$0x3FB5]  }
0x2e: {  	s3 =	simm.s32 @!p0 $0x1082;
	s9 =	sld [smem:$0x3FB6]  }
0x2f: {  	lr =	sadd.s32 s0, s3;
	s0 =	sld [smem:$0x3FAD]  }
0x30: {  	s3 =	sld [smem:$0x3FB0]  }
0x31: {  	[smem:$0x3FB9] =	sst s10  }
0x32: {  	s10 =	sld [smem:$0x3FB7];
	_ =	sdelay $0x3  }
0x33: {  	p0 =	seq.s32 s10, $0x1;
	s10 =	sld [smem:$0x3FB9];
	_ =	sdelay $0x3  }
0x34: {  	[smem:$0x3FB9] =	sst s10  }
0x35: {  	s10 =	sld [smem:$0x3FB8];
	_ =	sdelay $0x3  }
0x36: {  	p1 =	seq.s32 s10, $0x1;
	s10 =	sld [smem:$0x3FB9];
	_ =	sdelay $0x3  }
0x37: {  	[smem:$0x3FB9] =	sst s10  }
0x38: {  	s10 =	sld [smem:$0x3FBA]  }
0x39: {  	_ = 	snop;
	(pc) =	sbr.ind lr, $3  }
0x3a: {  	_ = 	snop  }
0x3b: {  	_ = 	snop  }
0x3c: {  	p2 =	seq.s32 s10, $0x1;
	s10 =	sld [smem:$0x3FB9]  }
0x3d: {  	_ =	shalt  }
0x3e: {  	_ =	shalt  }
0x3f: {  	_ =	shalt  }
0x40: {  	_ =	shalt  }
0x41: {  	_ =	shalt  }
0x42: {  	_ =	shalt  }
0x43: {  	_ =	shalt  }
0x44: {  	_ =	shalt  }
0x45: {  	_ =	shalt  }
0x46: {  	_ =	shalt  }
0x47: {  	_ =	shalt  }
0x48: {  	_ =	shalt  }
0x49: {  	_ =	shalt  }
0x4a: {  	_ =	shalt  }
0x4b: {  	_ =	shalt  }
0x4c: {  	_ =	shalt  }
0x4d: {  	_ =	shalt  }
0x4e: {  	_ =	shalt  }
0x4f: {  	_ =	shalt  }
0x50: {  	_ =	shalt  }
0x51: {  	_ =	shalt  }
0x52: {  	_ =	shalt  }
0x53: {  	_ =	shalt  }
0x54: {  	_ =	shalt  }
0x55: {  	_ =	shalt  }
0x56: {  	_ =	shalt  }
0x57: {  	_ =	shalt  }
0x58: {  	_ =	shalt  }
0x59: {  	_ =	shalt  }
0x5a: {  	_ =	shalt  }
0x5b: {  	_ =	shalt  }
0x5c: {  	_ =	shalt  }
0x5d: {  	_ =	shalt  }
0x5e: {  	_ =	shalt  }
0x5f: {  	_ =	shalt  }
0x60: {  	_ =	shalt  }
0x61: {  	_ =	shalt  }
0x62: {  	_ =	shalt  }
0x63: {  	_ =	shalt  }
0x64: {  	_ =	shalt  }
0x65: {  	_ =	shalt  }
0x66: {  	_ =	shalt  }
0x67: {  	_ =	shalt  }
0x68: {  	_ =	shalt  }
0x69: {  	_ =	shalt  }
0x6a: {  	_ =	shalt  }
0x6b: {  	_ =	shalt  }
0x6c: {  	_ =	shalt  }
0x6d: {  	_ =	shalt  }
0x6e: {  	_ =	shalt  }
0x6f: {  	_ =	shalt  }
0x70: {  	_ =	shalt  }
0x71: {  	_ =	shalt  }
0x72: {  	_ =	shalt  }
0x73: {  	_ =	shalt  }
0x74: {  	_ =	shalt  }
0x75: {  	_ =	shalt  }
0x76: {  	_ =	shalt  }
0x77: {  	_ =	shalt  }
0x78: {  	_ =	shalt  }
0x79: {  	_ =	shalt  }
0x7a: {  	_ =	shalt  }
0x7b: {  	_ =	shalt  }
0x7c: {  	_ =	shalt  }
0x7d: {  	_ =	shalt  }
0x7e: {  	_ =	shalt  }
0x7f: {  	_ =	shalt  }
0x80: {  	_ =	shalt  }
0x81: {  	_ =	shalt  }
0x82: {  	_ =	shalt  }
0x83: {  	_ =	shalt  }
0x84: {  	_ =	shalt  }
0x85: {  	_ =	shalt  }
0x86: {  	_ =	shalt  }
0x87: {  	_ =	shalt  }
.Lfunc_end0:
.L_simem_size_0:
called_computation_lowered:
.L_overlay_start_0:
0x88: {  	s2 =	sld [smem:$0x3FD9]  }
0x89: {  	s3 =	sld [smem:$0x3FFE];
	_ =	sdelay $0x1  }
0x8a: {  	s1 =	srdreg.scid  }
0x8b: {  	s0 =	sand.u32 $0x1, s1  }
0x8c: {  	s17 =	sshll.u32 s0, $0xA;
	s2 =	sadd.s32 s3, s2  }
0x8d: {  	s2 =	sadd.s32 s2, s17  }
0x8e: {  	[smem:$0x3FC5] =	sst s2  }
0x8f: {  	_ = 	snop  }
0x90: {  	s2 =	sld [smem:$0x3FD0];
	(tm) =	ssettm $0x1  }
0x91: {  	s18 =	sld [smem:$0x3FFB];
	_ =	sdelay $0x3  }
0x92: {  	_ =	strace s18  }
0x93: {  	s3 =	sld [smem:$0x3FFC];
	_ =	sdelay $0x3  }
0x94: {  	_ =	strace s3  }
0x95: {  	s3 =	sld [smem:$0x3FFD];
	_ =	sdelay $0x3  }
0x96: {  	_ =	strace s3  }
0x97: {  	_ =	strace $0x8FFFFFFF  }
0x98: {  	s19 =	sld [smem:$0x3FDB];
	_ =	sdelay $0x1  }
0x99: {  	s4 =	simm.s32 $_scs_section_size  }
0x9a: {  	s5 =	simm.s32 $_size__tile_overlayer_lowered;
	s6 =	simm.s32 $_tile_overlayer_lowered  }
0x9b: {  	s22 =	simm.s32 $0x1BFF;
	s21 =	sshll.u32 s6, $0x1;
	s3 =	sadd.s32 s4, s19  }
0x9c: {  	s7 =	simm.s32 $0x0;
	s20 =	sshll.u32 s5, $0x1;
	s5 =	sadd.s32 s21, s3  }
0x9d: {  	[timem:s7], [sflag:s22] =	dma.local [hbm:s5], s20  }
0x9e: {  	_ =	swait.ge [sflag:s22], s20  }
0x9f: {  	s4 =	ssub.s32 $0x0, s20;
	[sflag:s22] =	ssyncset.done $0x0  }
0xa0: {  	[sflag:s22] =	ssyncadd.s32 s4;
	_ =	sdelay $0x1  }
0xa1: {  	s23 =	simm.s32 $0x1B8B  }
0xa2: {  	_ =	swait.ge [sflag:s23], $0x1  }
0xa3: {  	[sflag:s23] =	ssyncset.done $0x0  }
0xa4: {  	s25 =	simm.s32 $0x1B8E;
	s24 =	sld [smem:$0x3FFE];
	[sflag:s23] =	ssyncadd.s32 $0xFFFFFFFF  }
0xa5: {  	s26 =	simm.s32 $execute0_lowered;
	[smem:$0x3FD2] =	sst s25  }
0xa6: {  	s5 =	sshll.u32 s26, $0x1;
	_ =	strace $0x80000046;
	[dreg:$0x1] =	wrdreg $0xFFFFFFFF  }
0xa7: {  	s28 =	simm.s32 $_size_execute0_lowered;
	s3 =	sadd.s32 s3, s5;
	[dreg:$0x0] =	wrdreg $0x0  }
0xa8: {  	s5 =	sshll.u32 s28, $0x1;
	[dreg:$0x2] =	wrdreg s3  }
0xa9: {  	[dreg:$0x3] =	wrdreg s5  }
0xaa: {  	[dreg:$0x4] =	wrdreg $0xC0  }
0xab: {  	_ =	task [dreg:s7], $0x5FFFF  }
0xac: {  	[dreg:$0x1] =	wrdreg $0xFFFFFFFF  }
0xad: {  	[dreg:$0x0] =	wrdreg $0x60  }
0xae: {  	[dreg:$0x2] =	wrdreg s24  }
0xaf: {  	[dreg:$0x3] =	wrdreg s2  }
0xb0: {  	[dreg:$0x4] =	wrdreg $0x9  }
0xb1: {  	_ =	task.clear_ibuf [dreg:s7], $0x5FFFF;
	_ =	strace $0x90000046  }
0xb2: {  	s29 =	simm.s32 $0x9;
	_ =	strace $0x80000048  }
0xb3: {  	_ =	swait.ge [sflag:s29], $0x1  }
0xb4: {  	[sflag:s29] =	ssyncadd.s32 $0xFFFFFFFF  }
0xb5: {  	_ =	strace $0x90000048  }
0xb6: {  	_ =	sfence  }
0xb7: {  	s30 =	sld [smem:$0x0];
	_ =	sdelay $0x2  }
0xb8: {  	s31 =	sshll.u32 s1, $0xD;
	s1 =	sshrl.u32 s1, $0x2  }
0xb9: {  	s3 =	sand.u32 $0x4000, s31;
	s1 =	sadd.s32 s1, s30  }
0xba: {  	s0 =	sor.u32 s3, s0;
	s1 =	sshll.u32 s1, $0x11  }
0xbb: {  	s0 =	sor.u32 s1, s0  }
0xbc: {  	s0 =	sadd.s32 $0x8F2B, s0  }
0xbd: {  	[sflag:s0] =	ssyncadd.remote.s32 $0x1  }
0xbe: {  	_ =	sfence.sel $0xFFFF  }
0xbf: {  	[dreg:$0x0] =	wrdreg $0xFFFFFFFF;
	(pc) =	sbr.abs _section_cstart, $3  }
0xc0: {  	[dreg:$0x1] =	wrdreg $0xFFFFFFFF  }
0xc1: {  	_ =	task.clear_ibuf [dreg:s7], $0x2FFFF;
	_ =	strace $0x9FFFFFFF  }
0xc2: {  	(tm) =	ssettm $0x7FFFFFFF  }
0xc3: {  	_ =	shalt  }
tec
execute0_lowered:
.L_overlay_start_1:
0x0: {  	(tag) =	ssettag $0x1  }
0x1: {  	s10 =	rddreg [dreg:$0x0]  }
0x2: {  	s8 =	rddreg [dreg:$0x1]  }
0x3: {  	s0 =	rddreg [dreg:$0x2];
	s1 =	simm.s32 $0x0;
	s5 =	srdreg.scid  }
0x4: {  	s2 =	stileid.u32;
	s12 =	simm.s32 $0x1;
	s13 =	simm.s32 $0x4000  }
0x5: {  	s14 =	simm.s32 $0x8000;
	s15 =	simm.s32 $0xC000;
	s16 =	simm.s32 $0x10000  }
0x6: {  	s17 =	simm.s32 $0x10800;
	s18 =	simm.s32 $0x11000;
	s19 =	simm.s32 $0x0  }
0x7: {  	[smem:$0x7FF] =	sst s1;
	s3 =	sadd.s32 $0x1E00, s10;
	s4 =	sadd.s32 $0x1600, s10  }
0x8: {  	s5 =	sand.u32 $0x1, s5;
	s6 =	sshll.u32 s2, $0xF;
	_ =	strace $0x80000047  }
0x9: {  	s9 =	ssub.s32 $0x2, s5;
	s7 =	sshll.u32 s5, $0xE;
	s5 =	sadd.s32 $0xE00, s10  }
0xa: {  	s11 =	sshrl.u32 s9, $0x1;
	s6 =	sor.u32 s7, s6;
	s7 =	sadd.s32 $0x2600, s10  }
0xb: {  	s11 =	ssub.s32 s9, s11;
	s31 =	sshrl.u32 s6, $0x3;
	s9 =	sadd.s32 $0x12600, s10  }
0xc: {  	s10 =	sadd.s32 $0x22600, s10;
	s8 =	sadd.s32 s8, s31;
	s11 =	smax.u32 s11, $0x1  }
.LBB2_1:
0xd: {  	[tilespmem:s1], [sflag:$0x1] =	stream.linear.gather [hbm4b:s3+s1], $0x4000, $0x38;
	[tilespmem:$0x11800] =	vst v63  }
0xe: {  	_ =	swait.ge [sflag:s12], $0x4000  }
0xf: {  	[sflag:s12] =	ssyncset.done $0x0  }
0x10: {  	[sflag:s12] =	ssyncadd.s32 $0xFFFFC000  }
0x11: {  	[tilespmem:s13], [sflag:$0x1] =	stream.linear.gather [hbm4b:s4+s1], $0x4000, $0x38;
	[tilespmem:$0x11800] =	vst v63  }
0x12: {  	_ =	swait.ge [sflag:s12], $0x4000  }
0x13: {  	[sflag:s12] =	ssyncset.done $0x0  }
0x14: {  	[sflag:s12] =	ssyncadd.s32 $0xFFFFC000  }
0x15: {  	[tilespmem:s14], [sflag:$0x1] =	stream.linear.gather [hbm4b:s5+s1], $0x4000, $0x38;
	[tilespmem:$0x11800] =	vst v63  }
0x16: {  	_ =	swait.ge [sflag:s12], $0x4000  }
0x17: {  	[sflag:s12] =	ssyncset.done $0x0  }
0x18: {  	[sflag:s12] =	ssyncadd.s32 $0xFFFFC000  }
0x19: {  	[tilespmem:s15], [sflag:$0x1] =	stream.linear.gather [hbm4b:s8+s1], $0x4000, $0x38;
	[tilespmem:$0x11800] =	vst v63  }
0x1a: {  	_ =	swait.ge [sflag:s12], $0x4000  }
0x1b: {  	[sflag:s12] =	ssyncset.done $0x0  }
0x1c: {  	s20 =	simm.s32 $0x0;
	[sflag:s12] =	ssyncadd.s32 $0xFFFFC000  }
.LBB2_2:
0x1d: {  	s21 =	sshll.u32 s20, $0xB  }
0x1e: {  	s23 =	simm.s32 $0x0;
	s22 =	sand.u32 $0x3FFFF800, s21  }
0x1f: {  	s24 =	sand.u32 $0x780, s23;
	s22 =	sadd.s32 $0xC000, s22  }
0x20: {  	s23 =	sand.u32 $0x70, s23;
	s24 =	sadd.s32 s24, s22  }
0x21: {  	s23 =	sadd.s32 s23, s24  }
0x22: {  	v0 =	vld [tilespmem:s23+$0x0];
	_ =	sdelay $0x7  }
0x23: {  	v1 =	vld.idx.msk [tilespmem:v0+s1+$0x0], $0xffff;
	_ =	sdelay $0x3  }
0x24: {  	s23 =	simm.s32 $0x10000  }
0x25: {  	[tilespmem:s23+$0x0] =	vst v1  }
0x26: {  	v1 =	vld.idx.msk [tilespmem:v0+s13+$0x0], $0xffff;
	_ =	sdelay $0x3  }
0x27: {  	s31 =	simm.s32 $0x10800  }
0x28: {  	[tilespmem:s31+$0x0] =	vst v1  }
0x29: {  	v0 =	vld.idx.msk [tilespmem:v0+s14+$0x0], $0xffff  }
0x2a: {  	s26 =	simm.s32 $0x11000;
	s25 =	simm.s32 $0x10  }
0x2b: {  	s28 =	simm.s32 $0x20;
	s30 =	sand.u32 $0x780, s25;
	s29 =	sand.u32 $0x70, s25  }
0x2c: {  	s25 =	simm.s32 $0x10810;
	s30 =	sadd.s32 s30, s22;
	s24 =	simm.s32 $0x11010  }
.LBB2_3:
0x2d: {  	s29 =	sadd.s32 s29, s30;
	s23 =	sadd.s32 $0x10, s23  }
0x2e: {  	[tilespmem:s26+$0x0] =	vst v0;
	s30 =	smov.u32 s28;
	s31 =	sadd.s32 $0x10, s28;
	s26 =	smov.u32 s24  }
0x2f: {  	p0 =	sne.s32 s28, $0x7F0;
	v0 =	vld [tilespmem:s29+$0x0];
	_ =	sdelay $0x7  }
0x30: {  	v1 =	vld.idx.msk [tilespmem:v0+s1+$0x0], $0xffff;
	_ =	sdelay $0x5  }
0x31: {  	[tilespmem:s23+$0x0] =	vst v1  }
0x32: {  	v1 =	vld.idx.msk [tilespmem:v0+s13+$0x0], $0xffff;
	_ =	sdelay $0x5  }
0x33: {  	[tilespmem:s25+$0x0] =	vst v1  }
0x34: {  	v0 =	vld.idx.msk [tilespmem:v0+s14+$0x0], $0xffff  }
.Ltmp0:
0x35: {  	(pc) =	sbr.rel @p0 .LBB2_3-.Ltmp0, $3  }
0x36: {  	_ =	sdelay $0x1  }
0x37: {  	s24 =	sadd.s32 $0x10, s24;
	s28 =	sand.u32 $0x780, s30;
	s29 =	sand.u32 $0x70, s30  }
0x38: {  	s30 =	sadd.s32 s28, s22;
	s28 =	smov.u32 s31;
	s25 =	sadd.s32 $0x10, s25  }
0x39: {  	s22 =	sadd.s32 s29, s30;
	[tilespmem:s26+$0x0] =	vst v0  }
0x3a: {  	v0 =	vld [tilespmem:s22+$0x0];
	_ =	sdelay $0x7  }
0x3b: {  	v1 =	vld.idx.msk [tilespmem:v0+s1+$0x0], $0xffff;
	_ =	sdelay $0x3  }
0x3c: {  	s29 =	sadd.s32 $0x10, s23  }
0x3d: {  	[tilespmem:s29+$0x0] =	vst v1  }
0x3e: {  	v1 =	vld.idx.msk [tilespmem:v0+s13+$0x0], $0xffff;
	_ =	sdelay $0x4  }
0x3f: {  	[tilespmem:s25+$0x0] =	vst v1  }
0x40: {  	v0 =	vld.idx.msk [tilespmem:v0+s14+$0x0], $0xffff;
	_ =	sdelay $0x2  }
0x41: {  	s21 =	sadd.s32 s6, s21  }
0x42: {  	s21 =	sshrl.u32 s21, $0x3  }
0x43: {  	s30 =	sadd.s32 s7, s21;
	[tilespmem:s24+$0x0] =	vst v0  }
0x44: {  	[hbm4b:s30+s1] =	stream.linear.scatter [tilespmem:s16], [sflag:$0x1], $0x800, $0x38;
	[tilespmem:$0x11800] =	vst v63  }
0x45: {  	_ =	swait.ge [sflag:s12], $0x800  }
0x46: {  	[sflag:s12] =	ssyncset.done $0x0  }
0x47: {  	s31 =	sadd.s32 s21, s9;
	[sflag:s12] =	ssyncadd.s32 $0xFFFFF800  }
0x48: {  	[hbm4b:s31+s1] =	stream.linear.scatter [tilespmem:s17], [sflag:$0x1], $0x800, $0x38;
	[tilespmem:$0x11800] =	vst v63  }
0x49: {  	s20 =	sadd.s32 $0x1, s20;
	_ =	swait.ge [sflag:s12], $0x800  }
0x4a: {  	p0 =	sne.s32 s20, $0x8;
	[sflag:s12] =	ssyncset.done $0x0  }
.Ltmp1:
0x4b: {  	s21 =	sadd.s32 s21, s10;
	[sflag:s12] =	ssyncadd.s32 $0xFFFFF800;
	(pc) =	sbr.rel @p0 .LBB2_2-.Ltmp1, $4  }
0x4c: {  	[hbm4b:s21+s1] =	stream.linear.scatter [tilespmem:s18], [sflag:$0x1], $0x800, $0x38;
	[tilespmem:$0x11800] =	vst v63  }
0x4d: {  	_ =	swait.ge [sflag:s12], $0x800  }
0x4e: {  	[sflag:s12] =	ssyncset.done $0x0  }
0x4f: {  	[sflag:s12] =	ssyncadd.s32 $0xFFFFF800  }
0x50: {  	s19 =	sadd.s32 $0x1, s19  }
0x51: {  	p0 =	sne.s32 s19, s11  }
.Ltmp2:
0x52: {  	_ = 	snop;
	(pc) =	sbr.rel @p0 .LBB2_1-.Ltmp2, $1  }
0x53: {  	_ =	sdelay $0x3  }
0x54: {  	_ =	sfence.sel $0x180000  }
0x55: {  	[bflag:$0x0] =	sbarrier.arrive $0xFFFF  }
0x56: {  	p0 =	sne.s32 s2, $0x0;
	_ =	strace $0x90000047  }
0x57: {  	s0 =	sadd.s32 @!p0 $0x100000, s0;
	[bflag:$0x2] =	sbarrier.arrive $0xFFFF  }
0x58: {  	[sflag:s0] =	ssyncadd.tile.s32 @!p0 $0x1;
	_ =	shalt  }
.Lfunc_end2:
_tile_overlayer_lowered:
.L_overlay_start_2:
0x59: {  	(tag) =	ssettag $0x2  }
0x5a: {  	s0 =	rddreg [dreg:$0x0];
	s2 =	stileid.u32  }
0x5b: {  	s1 =	rddreg [dreg:$0x1];
	p0 =	sne.s32 s2, $0x0  }
0x5c: {  	s3 =	rddreg [dreg:$0x2];
	[bflag:$0x3] =	sbarrier.arrive $0xFFFF;
	s2 =	simm.s32 @!p0 $0x1C01  }
0x5d: {  	[timem:s3], [sflag:s2] =	dma.local @!p0 [hbm:s0], s1  }
0x5e: {  	s0 =	simm.s32 @!p0 $0x1  }
0x5f: {  	_ =	swait.ge @!p0 [sflag:s0], s1  }
0x60: {  	s1 =	ssub.s32 @!p0 $0x0, s1;
	[sflag:s0] =	ssyncset.done @!p0 $0x0  }
0x61: {  	[sflag:s0] =	ssyncadd.s32 @!p0 s1  }
0x62: {  	[bflag:$0x3] =	sbarrier.arrive $0xFFFF  }
0x63: {  	_ =	shalt  }

</sc_bundles>
